<compile_context>
chip_gen: v7x
topology: tpu7x:2x2x1
jax: 0.10.2.dev20260603
libtpu: 0.0.44.dev20260713+nightly
codegen_flags: <defaults>
</compile_context>

<pallas_src>
import jax
import jax.numpy as jnp
from jax import lax
from jax.experimental import pallas as pl
from jax.experimental.pallas import tpu as pltpu
from jax.experimental.pallas import tpu_sc as plsc

NUM_FIELDS = 26
NUM_BUCKETS = 100000
EMBSIZE = 32
BATCH = 16384

_INFO = plsc.get_sparse_core_info()
NC, NS, NL = _INFO.num_cores, _INFO.num_subcores, _INFO.num_lanes
NW = NC * NS
NROWS = NUM_FIELDS * EMBSIZE
RPW = NROWS // NW
NVEC = BATCH // NL

SLOT_W = 25088
NSLOT_CH = 3
TAIL_B0 = NSLOT_CH * SLOT_W
TAIL_W = NUM_BUCKETS - TAIL_B0
NCH = NSLOT_CH + 1


def _body(tab_hbm, idx_hbm, out_hbm, chk_v, tail_v, idx_v, ob_v, gsem, wsem):
    wid = lax.axis_index("s") * NC + lax.axis_index("c")
    r0 = wid * RPW

    def chunk_copy(r, c, k):
        f = r // EMBSIZE
        e = r % EMBSIZE
        if c == NSLOT_CH:
            dst = tail_v
            b0, w = TAIL_B0, TAIL_W
        else:
            dst = chk_v.at[lax.rem(k + c, 2)]
            b0, w = c * SLOT_W, SLOT_W
        return pltpu.make_async_copy(
            tab_hbm.at[f, pl.ds(e, 1), pl.ds(b0, w)], dst, gsem
        )

    def row_step(k, f_prev):
        r = r0 + k
        f = r // EMBSIZE
        ob_s = lax.rem(k, 2)

        @pl.when(jnp.logical_or(k == 0, f != f_prev))
        def _():
            pltpu.sync_copy(idx_hbm.at[pl.ds(f, 1)], idx_v)

        @pl.when(k >= 2)
        def _():
            pltpu.make_async_copy(
                ob_v.at[ob_s], out_hbm.at[pl.ds(r - 2, 1)], wsem
            ).wait()

        zero16 = jnp.zeros((NL,), jnp.int32)
        lane16 = lax.iota(jnp.int32, NL)
        swu = jnp.uint32(SLOT_W)
        swm1 = jnp.uint32(SLOT_W - 1)
        twu = jnp.uint32(TAIL_W)
        twm1 = jnp.uint32(TAIL_W - 1)

        chunk_copy(r, 1, k).start()
        chunk_copy(r, NSLOT_CH, k).start()
        chunk_copy(r, 0, k).wait()

        src0 = chk_v.at[lax.rem(k, 2)]

        @plsc.parallel_loop(0, NVEC, 1, unroll=4)
        def p0(i):
            idx16 = idx_v[0, pl.ds(i * NL, NL)]
            lu = plsc.bitcast(idx16, jnp.uint32)
            loc = plsc.bitcast(jnp.minimum(lu, swm1), jnp.int32)
            g = plsc.load_gather(src0, [zero16, loc])
            ob_v.at[ob_s, 0][pl.ds(i * NL, NL)] = g

        chunk_copy(r, 2, k).start()
        chunk_copy(r, 1, k).wait()

        src1 = chk_v.at[lax.rem(k + 1, 2)]

        @plsc.parallel_loop(0, NVEC, 1, unroll=4)
        def p1(i):
            idx16 = idx_v[0, pl.ds(i * NL, NL)]
            lu = plsc.bitcast(idx16 - SLOT_W, jnp.uint32)
            loc = plsc.bitcast(jnp.minimum(lu, swm1), jnp.int32)
            g = plsc.load_gather(src1, [zero16, loc])
            m = lu < swu
            plsc.store_scatter(
                ob_v.at[ob_s], [zero16, lane16 + i * NL], g, mask=m
            )

        @pl.when(k + 1 < RPW)
        def _():
            chunk_copy(r + 1, 0, k + 1).start()

        chunk_copy(r, NSLOT_CH, k).wait()
        chunk_copy(r, 2, k).wait()

        src2 = chk_v.at[lax.rem(k, 2)]

        @plsc.parallel_loop(0, NVEC, 1, unroll=4)
        def p2(i):
            idx16 = idx_v[0, pl.ds(i * NL, NL)]
            pos16 = lane16 + i * NL
            lu2 = plsc.bitcast(idx16 - 2 * SLOT_W, jnp.uint32)
            loc2 = plsc.bitcast(jnp.minimum(lu2, swm1), jnp.int32)
            g2 = plsc.load_gather(src2, [zero16, loc2])
            m2 = lu2 < swu
            plsc.store_scatter(ob_v.at[ob_s], [zero16, pos16], g2, mask=m2)
            lut = plsc.bitcast(idx16 - TAIL_B0, jnp.uint32)
            loct = plsc.bitcast(jnp.minimum(lut, twm1), jnp.int32)
            gt = plsc.load_gather(tail_v, [zero16, loct])
            mt = lut < twu
            plsc.store_scatter(ob_v.at[ob_s], [zero16, pos16], gt, mask=mt)

        pltpu.async_copy(ob_v.at[ob_s], out_hbm.at[pl.ds(r, 1)], wsem)
        return f

    chunk_copy(r0, 0, 0).start()
    lax.fori_loop(0, RPW, row_step, -1)
    for k in (RPW - 2, RPW - 1):
        pltpu.make_async_copy(
            ob_v.at[k % 2], out_hbm.at[pl.ds(r0 + k, 1)], wsem
        ).wait()


@jax.jit
def kernel(control_inputs, tables):
    tab_t = jnp.transpose(tables, (0, 2, 1))
    idx_t = jnp.transpose(control_inputs, (1, 0))

    mesh = plsc.VectorSubcoreMesh(core_axis_name="c", subcore_axis_name="s")
    out = pl.kernel(
        _body,
        mesh=mesh,
        out_type=jax.ShapeDtypeStruct((NROWS, BATCH), jnp.float32),
        scratch_types=[
            pltpu.VMEM((2, 1, SLOT_W), jnp.float32),
            pltpu.VMEM((1, TAIL_W), jnp.float32),
            pltpu.VMEM((1, BATCH), jnp.int32),
            pltpu.VMEM((2, 1, BATCH), jnp.float32),
            pltpu.SemaphoreType.DMA,
            pltpu.SemaphoreType.DMA,
        ],
        compiler_params=pltpu.CompilerParams(
            use_tc_tiling_on_sc=True, needs_layout_passes=False
        ),
    )(tab_t, idx_t)
    return jnp.transpose(out, (1, 0)).reshape(BATCH, NUM_FIELDS * EMBSIZE)

# --- scband reference (transcript-rebuilt; emitter-appended) ---
"""Pipeline reference for scband-control-encoder-87445534147165 (READ-ONLY COPY).

The authoritative reference and input builder live on the scoring server;
editing this copy changes nothing except your own understanding.
"""

import jax, jax.numpy as jnp
import numpy as np

NUM_FIELDS = 26
NUM_BUCKETS = 100000
EMBSIZE = 32
BATCH = 16384


def setup_inputs(seed: int = 0) -> dict:
    key = jax.random.key(seed)
    k_idx, k_tab = jax.random.split(key)
    control_inputs = jax.random.randint(k_idx, (BATCH, NUM_FIELDS), 0, NUM_BUCKETS, dtype=jnp.int32)
    # All 26 embedding tables have identical shapes, so stack them into one array
    # tables[f] corresponds to control_embeddings[idx2ctrl[f]].weight
    tables = jax.random.normal(k_tab, (NUM_FIELDS, NUM_BUCKETS, EMBSIZE), dtype=jnp.float32)
    return {"control_inputs": control_inputs, "tables": tables}


def reference(control_inputs, tables):
    # Equivalent to splitting control_inputs along dim 1, looking up each column
    # in its own embedding table, then concatenating along dim 1.
    field_ids = jnp.arange(tables.shape[0])[None, :]  # [1, NUM_FIELDS]
    embs = tables[field_ids, control_inputs]          # [B, NUM_FIELDS, EMBSIZE] gather
    return embs.reshape(control_inputs.shape[0], -1)  # concat along dim 1 -> [B, NUM_FIELDS*EMBSIZE]

if __name__ == "__main__":
    import jax
    _d = setup_inputs()
    print(jax.jit(kernel)(*tuple(_d.values())))

</pallas_src>

<mosaic_0001>
#map = affine_map<(d0, d1) -> (0, 0, 0)>
#map1 = affine_map<(d0, d1) -> (0, 0)>
module attributes {stable_mosaic.version = 14 : i64} {
  func.func @_body(%arg0: i32, %arg1: i32, %arg2: memref<26x32x100000xf32, #tpu.memory_space<hbm>>, %arg3: memref<26x16384xi32, #tpu.memory_space<hbm>>, %arg4: memref<832x16384xf32, #tpu.memory_space<hbm>>, %arg5: memref<2x1x25088xf32, #tpu.memory_space<vmem>>, %arg6: memref<1x24736xf32, #tpu.memory_space<vmem>>, %arg7: memref<1x16384xi32, #tpu.memory_space<vmem>>, %arg8: memref<2x1x16384xf32, #tpu.memory_space<vmem>>, %arg9: memref<!tpu.dma_semaphore, #tpu.memory_space<semaphore_mem>>, %arg10: memref<!tpu.dma_semaphore, #tpu.memory_space<semaphore_mem>>) attributes {dimension_semantics = [#tpu.dimension_semantics<core_parallel>, #tpu.dimension_semantics<subcore_parallel>], iteration_bounds = array<i64: 2, 16>, scalar_prefetch = 0 : i64, scratch_operands = 6 : i64, tpu.core_type = #tpu.core_type<sc_vector_subcore>, window_params = [{transform_indices = #map}, {transform_indices = #map1}, {transform_indices = #map1}]} {
    %mul3A = arith.constant 2 : i32
    %mul3A_0 = arith.muli %arg1, %mul3A : i32
    %add3A = arith.addi %mul3A_0, %arg0 : i32
    %mul3A_1 = arith.constant 26 : i32
    %mul3A_2 = arith.muli %add3A, %mul3A_1 : i32
    %jit3A = arith.constant 32 : i32
    %div3A = arith.divsi %mul3A_2, %jit3A : i32
    %sign3A = arith.constant 0 : i32
    %sign3A_3 = arith.cmpi sgt, %mul3A_2, %sign3A : i32
    %sign3A_4 = arith.extui %sign3A_3 : i1 to i32
    %sign3A_5 = arith.constant 0 : i32
    %sign3A_6 = arith.cmpi slt, %mul3A_2, %sign3A_5 : i32
    %sign3A_7 = arith.extui %sign3A_6 : i1 to i32
    %sign3A_8 = arith.subi %sign3A_4, %sign3A_7 : i32
    %sign3A_9 = arith.constant 0 : i32
    %sign3A_10 = arith.cmpi sgt, %jit3A, %sign3A_9 : i32
    %sign3A_11 = arith.extui %sign3A_10 : i1 to i32
    %sign3A_12 = arith.constant 0 : i32
    %sign3A_13 = arith.cmpi slt, %jit3A, %sign3A_12 : i32
    %sign3A_14 = arith.extui %sign3A_13 : i1 to i32
    %sign3A_15 = arith.subi %sign3A_11, %sign3A_14 : i32
    %ne3A = arith.cmpi ne, %sign3A_8, %sign3A_15 : i32
    %rem3A = arith.remsi %mul3A_2, %jit3A : i32
    %ne3A_16 = arith.constant 0 : i32
    %ne3A_17 = arith.cmpi ne, %rem3A, %ne3A_16 : i32
    %and3A = arith.andi %ne3A, %ne3A_17 : i1
    %sub3A = arith.constant 1 : i32
    %sub3A_18 = arith.subi %div3A, %sub3A : i32
    %select_n3A = arith.select %and3A, %sub3A_18, %div3A : i32
    %jit3A_19 = arith.constant 32 : i32
    %eq3A = arith.constant 0 : i32
    %eq3A_20 = arith.cmpi eq, %jit3A_19, %eq3A : i32
    %jit3A_21 = arith.constant 1 : i32
    %select_n3A_22 = arith.select %eq3A_20, %jit3A_21, %jit3A_19 : i32
    %rem3A_23 = arith.remsi %mul3A_2, %select_n3A_22 : i32
    %ne3A_24 = arith.constant 0 : i32
    %ne3A_25 = arith.cmpi ne, %rem3A_23, %ne3A_24 : i32
    %lt3A = arith.constant 0 : i32
    %lt3A_26 = arith.cmpi slt, %rem3A_23, %lt3A : i32
    %lt3A_27 = arith.constant 0 : i32
    %lt3A_28 = arith.cmpi slt, %select_n3A_22, %lt3A_27 : i32
    %ne3A_29 = arith.xori %lt3A_26, %lt3A_28 : i1
    %and3A_30 = arith.andi %ne3A_29, %ne3A_25 : i1
    %add3A_31 = arith.addi %rem3A_23, %select_n3A_22 : i32
    %select_n3A_32 = arith.select %and3A_30, %add3A_31, %rem3A_23 : i32
    %rem3A_33 = arith.constant 0 : i32
    %rem3A_34 = arith.constant 2 : i32
    %rem3A_35 = arith.remsi %rem3A_33, %rem3A_34 : i32
    %dma_start3A = arith.constant 0 : i32
    %dma_start3A_36 = arith.constant 0 : i32
    %dma_start3A_37 = tpu.memref_slice %arg5[%rem3A_35, %dma_start3A, %dma_start3A_36] : memref<2x1x25088xf32, #tpu.memory_space<vmem>> -> memref<1x1x25088xf32, #tpu.memory_space<vmem>>
    %dma_start3A_38 = tpu.memref_squeeze %dma_start3A_37 : memref<1x1x25088xf32, #tpu.memory_space<vmem>> -> memref<1x25088xf32, #tpu.memory_space<vmem>>
    %dma_start3A_39 = arith.constant 0 : i32
    %dma_start3A_40 = tpu.memref_slice %arg2[%select_n3A, %select_n3A_32, %dma_start3A_39] : memref<26x32x100000xf32, #tpu.memory_space<hbm>> -> memref<1x1x25088xf32, #tpu.memory_space<hbm>>
    %dma_start3A_41 = tpu.memref_squeeze %dma_start3A_40 : memref<1x1x25088xf32, #tpu.memory_space<hbm>> -> memref<1x25088xf32, #tpu.memory_space<hbm>>
    %dma_start3A_42 = arith.constant 0 : i32
    %dma_start3A_43 = arith.constant 0 : i32
    %dma_start3A_44 = tpu.memref_slice %arg5[%rem3A_35, %dma_start3A_42, %dma_start3A_43] : memref<2x1x25088xf32, #tpu.memory_space<vmem>> -> memref<1x1x25088xf32, #tpu.memory_space<vmem>>
    %dma_start3A_45 = tpu.memref_squeeze %dma_start3A_44 : memref<1x1x25088xf32, #tpu.memory_space<vmem>> -> memref<1x25088xf32, #tpu.memory_space<vmem>>
    %dma_start3A_46 = arith.constant 0 : i32
    %dma_start3A_47 = tpu.memref_slice %arg2[%select_n3A, %select_n3A_32, %dma_start3A_46] : memref<26x32x100000xf32, #tpu.memory_space<hbm>> -> memref<1x1x25088xf32, #tpu.memory_space<hbm>>
    %dma_start3A_48 = tpu.memref_squeeze %dma_start3A_47 : memref<1x1x25088xf32, #tpu.memory_space<hbm>> -> memref<1x25088xf32, #tpu.memory_space<hbm>>
    tpu.enqueue_dma source(%dma_start3A_48 : memref<1x25088xf32, #tpu.memory_space<hbm>>) target(%dma_start3A_45 : memref<1x25088xf32, #tpu.memory_space<vmem>>) target_semaphore(%arg9 : memref<!tpu.dma_semaphore, #tpu.memory_space<semaphore_mem>>)
    %scan3A = arith.constant -1 : i32
    %scan3A_49 = arith.constant 0 : i32
    %scan3A_50 = arith.constant 26 : i32
    %scan3A_51 = arith.addi %scan3A_49, %scan3A_50 : i32
    %scan3A_52 = arith.constant 1 : i32
    %scan3A_53 = scf.for %scan3A_84 = %scan3A_49 to %scan3A_51 step %scan3A_52 iter_args(%scan3A_85 = %scan3A) -> (i32)  : i32 {
      %add3A_86 = arith.addi %mul3A_2, %scan3A_84 : i32
      %jit3A_87 = arith.constant 32 : i32
      %div3A_88 = arith.divsi %add3A_86, %jit3A_87 : i32
      %sign3A_89 = arith.constant 0 : i32
      %sign3A_90 = arith.cmpi sgt, %add3A_86, %sign3A_89 : i32
      %sign3A_91 = arith.extui %sign3A_90 : i1 to i32
      %sign3A_92 = arith.constant 0 : i32
      %sign3A_93 = arith.cmpi slt, %add3A_86, %sign3A_92 : i32
      %sign3A_94 = arith.extui %sign3A_93 : i1 to i32
      %sign3A_95 = arith.subi %sign3A_91, %sign3A_94 : i32
      %sign3A_96 = arith.constant 0 : i32
      %sign3A_97 = arith.cmpi sgt, %jit3A_87, %sign3A_96 : i32
      %sign3A_98 = arith.extui %sign3A_97 : i1 to i32
      %sign3A_99 = arith.constant 0 : i32
      %sign3A_100 = arith.cmpi slt, %jit3A_87, %sign3A_99 : i32
      %sign3A_101 = arith.extui %sign3A_100 : i1 to i32
      %sign3A_102 = arith.subi %sign3A_98, %sign3A_101 : i32
      %ne3A_103 = arith.cmpi ne, %sign3A_95, %sign3A_102 : i32
      %rem3A_104 = arith.remsi %add3A_86, %jit3A_87 : i32
      %ne3A_105 = arith.constant 0 : i32
      %ne3A_106 = arith.cmpi ne, %rem3A_104, %ne3A_105 : i32
      %and3A_107 = arith.andi %ne3A_103, %ne3A_106 : i1
      %sub3A_108 = arith.constant 1 : i32
      %sub3A_109 = arith.subi %div3A_88, %sub3A_108 : i32
      %select_n3A_110 = arith.select %and3A_107, %sub3A_109, %div3A_88 : i32
      %rem3A_111 = arith.constant 2 : i32
      %rem3A_112 = arith.remsi %scan3A_84, %rem3A_111 : i32
      %eq3A_113 = arith.constant 0 : i32
      %eq3A_114 = arith.cmpi eq, %scan3A_84, %eq3A_113 : i32
      %ne3A_115 = arith.cmpi ne, %select_n3A_110, %scan3A_85 : i32
      %or3A = arith.ori %eq3A_114, %ne3A_115 : i1
      %convert_element_type3A = arith.extui %or3A : i1 to i32
      %cond3A = arith.constant 0 : i32
      %cond3A_116 = arith.cmpi ne, %convert_element_type3A, %cond3A : i32
      scf.if %cond3A_116 {
        "tpu.region"() ({
          %run_scoped3A = tpu.sem_alloc : memref<!tpu.dma_semaphore, #tpu.memory_space<semaphore_mem>>
          %dma_start3A_546 = arith.constant 0 : i32
          %dma_start3A_547 = tpu.memref_slice %arg3[%select_n3A_110, %dma_start3A_546] : memref<26x16384xi32, #tpu.memory_space<hbm>> -> memref<1x16384xi32, #tpu.memory_space<hbm>>
          %dma_start3A_548 = arith.constant 0 : i32
          %dma_start3A_549 = tpu.memref_slice %arg3[%select_n3A_110, %dma_start3A_548] : memref<26x16384xi32, #tpu.memory_space<hbm>> -> memref<1x16384xi32, #tpu.memory_space<hbm>>
          tpu.enqueue_dma source(%dma_start3A_549 : memref<1x16384xi32, #tpu.memory_space<hbm>>) target(%arg7 : memref<1x16384xi32, #tpu.memory_space<vmem>>) target_semaphore(%run_scoped3A : memref<!tpu.dma_semaphore, #tpu.memory_space<semaphore_mem>>)
          %dma_wait3A_550 = arith.constant 0 : i32
          %dma_wait3A_551 = tpu.memref_slice %arg3[%select_n3A_110, %dma_wait3A_550] : memref<26x16384xi32, #tpu.memory_space<hbm>> -> memref<1x16384xi32, #tpu.memory_space<hbm>>
          %dma_wait3A_552 = arith.constant 0 : i32
          %dma_wait3A_553 = tpu.memref_slice %arg3[%select_n3A_110, %dma_wait3A_552] : memref<26x16384xi32, #tpu.memory_space<hbm>> -> memref<1x16384xi32, #tpu.memory_space<hbm>>
          tpu.wait_dma2 semaphore(%run_scoped3A : memref<!tpu.dma_semaphore, #tpu.memory_space<semaphore_mem>>) src(%dma_wait3A_553 : memref<1x16384xi32, #tpu.memory_space<hbm>>) dst(%arg7 : memref<1x16384xi32, #tpu.memory_space<vmem>>)
          tpu.yield
        }) : () -> ()
      } else {
      }
      %ge3A = arith.constant 2 : i32
      %ge3A_117 = arith.cmpi sge, %scan3A_84, %ge3A : i32
      %convert_element_type3A_118 = arith.extui %ge3A_117 : i1 to i32
      %cond3A_119 = arith.constant 0 : i32
      %cond3A_120 = arith.cmpi ne, %convert_element_type3A_118, %cond3A_119 : i32
      scf.if %cond3A_120 {
        %sub3A_546 = arith.constant 2 : i32
        %sub3A_547 = arith.subi %add3A_86, %sub3A_546 : i32
        %dma_wait3A_548 = arith.constant 0 : i32
        %dma_wait3A_549 = arith.constant 0 : i32
        %dma_wait3A_550 = tpu.memref_slice %arg8[%rem3A_112, %dma_wait3A_548, %dma_wait3A_549] : memref<2x1x16384xf32, #tpu.memory_space<vmem>> -> memref<1x1x16384xf32, #tpu.memory_space<vmem>>
        %dma_wait3A_551 = tpu.memref_squeeze %dma_wait3A_550 : memref<1x1x16384xf32, #tpu.memory_space<vmem>> -> memref<1x16384xf32, #tpu.memory_space<vmem>>
        %dma_wait3A_552 = arith.constant 0 : i32
        %dma_wait3A_553 = tpu.memref_slice %arg4[%sub3A_547, %dma_wait3A_552] : memref<832x16384xf32, #tpu.memory_space<hbm>> -> memref<1x16384xf32, #tpu.memory_space<hbm>>
        %dma_wait3A_554 = arith.constant 0 : i32
        %dma_wait3A_555 = tpu.memref_slice %arg4[%sub3A_547, %dma_wait3A_554] : memref<832x16384xf32, #tpu.memory_space<hbm>> -> memref<1x16384xf32, #tpu.memory_space<hbm>>
        %dma_wait3A_556 = arith.constant 0 : i32
        %dma_wait3A_557 = arith.constant 0 : i32
        %dma_wait3A_558 = tpu.memref_slice %arg8[%rem3A_112, %dma_wait3A_556, %dma_wait3A_557] : memref<2x1x16384xf32, #tpu.memory_space<vmem>> -> memref<1x1x16384xf32, #tpu.memory_space<vmem>>
        %dma_wait3A_559 = tpu.memref_squeeze %dma_wait3A_558 : memref<1x1x16384xf32, #tpu.memory_space<vmem>> -> memref<1x16384xf32, #tpu.memory_space<vmem>>
        tpu.wait_dma2 semaphore(%arg10 : memref<!tpu.dma_semaphore, #tpu.memory_space<semaphore_mem>>) src(%dma_wait3A_559 : memref<1x16384xf32, #tpu.memory_space<vmem>>) dst(%dma_wait3A_555 : memref<1x16384xf32, #tpu.memory_space<hbm>>)
      } else {
      }
      %broadcast_in_dim3A = arith.constant 0 : i32
      %broadcast_in_dim3A_121 = vector.broadcast %broadcast_in_dim3A : i32 to vector<16xi32>
      %iota3A = tpu.iota {dimensions = array<i32: 0>} : vector<16xi32>
      %jit3A_122 = arith.constant 32 : i32
      %div3A_123 = arith.divsi %add3A_86, %jit3A_122 : i32
      %sign3A_124 = arith.constant 0 : i32
      %sign3A_125 = arith.cmpi sgt, %add3A_86, %sign3A_124 : i32
      %sign3A_126 = arith.extui %sign3A_125 : i1 to i32
      %sign3A_127 = arith.constant 0 : i32
      %sign3A_128 = arith.cmpi slt, %add3A_86, %sign3A_127 : i32
      %sign3A_129 = arith.extui %sign3A_128 : i1 to i32
      %sign3A_130 = arith.subi %sign3A_126, %sign3A_129 : i32
      %sign3A_131 = arith.constant 0 : i32
      %sign3A_132 = arith.cmpi sgt, %jit3A_122, %sign3A_131 : i32
      %sign3A_133 = arith.extui %sign3A_132 : i1 to i32
      %sign3A_134 = arith.constant 0 : i32
      %sign3A_135 = arith.cmpi slt, %jit3A_122, %sign3A_134 : i32
      %sign3A_136 = arith.extui %sign3A_135 : i1 to i32
      %sign3A_137 = arith.subi %sign3A_133, %sign3A_136 : i32
      %ne3A_138 = arith.cmpi ne, %sign3A_130, %sign3A_137 : i32
      %rem3A_139 = arith.remsi %add3A_86, %jit3A_122 : i32
      %ne3A_140 = arith.constant 0 : i32
      %ne3A_141 = arith.cmpi ne, %rem3A_139, %ne3A_140 : i32
      %and3A_142 = arith.andi %ne3A_138, %ne3A_141 : i1
      %sub3A_143 = arith.constant 1 : i32
      %sub3A_144 = arith.subi %div3A_123, %sub3A_143 : i32
      %select_n3A_145 = arith.select %and3A_142, %sub3A_144, %div3A_123 : i32
      %jit3A_146 = arith.constant 32 : i32
      %eq3A_147 = arith.constant 0 : i32
      %eq3A_148 = arith.cmpi eq, %jit3A_146, %eq3A_147 : i32
      %jit3A_149 = arith.constant 1 : i32
      %select_n3A_150 = arith.select %eq3A_148, %jit3A_149, %jit3A_146 : i32
      %rem3A_151 = arith.remsi %add3A_86, %select_n3A_150 : i32
      %ne3A_152 = arith.constant 0 : i32
      %ne3A_153 = arith.cmpi ne, %rem3A_151, %ne3A_152 : i32
      %lt3A_154 = arith.constant 0 : i32
      %lt3A_155 = arith.cmpi slt, %rem3A_151, %lt3A_154 : i32
      %lt3A_156 = arith.constant 0 : i32
      %lt3A_157 = arith.cmpi slt, %select_n3A_150, %lt3A_156 : i32
      %ne3A_158 = arith.xori %lt3A_155, %lt3A_157 : i1
      %and3A_159 = arith.andi %ne3A_158, %ne3A_153 : i1
      %add3A_160 = arith.addi %rem3A_151, %select_n3A_150 : i32
      %select_n3A_161 = arith.select %and3A_159, %add3A_160, %rem3A_151 : i32
      %add3A_162 = arith.constant 1 : i32
      %add3A_163 = arith.addi %scan3A_84, %add3A_162 : i32
      %rem3A_164 = arith.constant 2 : i32
      %rem3A_165 = arith.remsi %add3A_163, %rem3A_164 : i32
      %dma_start3A_166 = arith.constant 0 : i32
      %dma_start3A_167 = arith.constant 0 : i32
      %dma_start3A_168 = tpu.memref_slice %arg5[%rem3A_165, %dma_start3A_166, %dma_start3A_167] : memref<2x1x25088xf32, #tpu.memory_space<vmem>> -> memref<1x1x25088xf32, #tpu.memory_space<vmem>>
      %dma_start3A_169 = tpu.memref_squeeze %dma_start3A_168 : memref<1x1x25088xf32, #tpu.memory_space<vmem>> -> memref<1x25088xf32, #tpu.memory_space<vmem>>
      %dma_start3A_170 = arith.constant 25088 : i32
      %dma_start3A_171 = tpu.memref_slice %arg2[%select_n3A_145, %select_n3A_161, %dma_start3A_170] : memref<26x32x100000xf32, #tpu.memory_space<hbm>> -> memref<1x1x25088xf32, #tpu.memory_space<hbm>>
      %dma_start3A_172 = tpu.memref_squeeze %dma_start3A_171 : memref<1x1x25088xf32, #tpu.memory_space<hbm>> -> memref<1x25088xf32, #tpu.memory_space<hbm>>
      %dma_start3A_173 = arith.constant 0 : i32
      %dma_start3A_174 = arith.constant 0 : i32
      %dma_start3A_175 = tpu.memref_slice %arg5[%rem3A_165, %dma_start3A_173, %dma_start3A_174] : memref<2x1x25088xf32, #tpu.memory_space<vmem>> -> memref<1x1x25088xf32, #tpu.memory_space<vmem>>
      %dma_start3A_176 = tpu.memref_squeeze %dma_start3A_175 : memref<1x1x25088xf32, #tpu.memory_space<vmem>> -> memref<1x25088xf32, #tpu.memory_space<vmem>>
      %dma_start3A_177 = arith.constant 25088 : i32
      %dma_start3A_178 = tpu.memref_slice %arg2[%select_n3A_145, %select_n3A_161, %dma_start3A_177] : memref<26x32x100000xf32, #tpu.memory_space<hbm>> -> memref<1x1x25088xf32, #tpu.memory_space<hbm>>
      %dma_start3A_179 = tpu.memref_squeeze %dma_start3A_178 : memref<1x1x25088xf32, #tpu.memory_space<hbm>> -> memref<1x25088xf32, #tpu.memory_space<hbm>>
      tpu.enqueue_dma source(%dma_start3A_179 : memref<1x25088xf32, #tpu.memory_space<hbm>>) target(%dma_start3A_176 : memref<1x25088xf32, #tpu.memory_space<vmem>>) target_semaphore(%arg9 : memref<!tpu.dma_semaphore, #tpu.memory_space<semaphore_mem>>)
      %jit3A_180 = arith.constant 32 : i32
      %div3A_181 = arith.divsi %add3A_86, %jit3A_180 : i32
      %sign3A_182 = arith.constant 0 : i32
      %sign3A_183 = arith.cmpi sgt, %add3A_86, %sign3A_182 : i32
      %sign3A_184 = arith.extui %sign3A_183 : i1 to i32
      %sign3A_185 = arith.constant 0 : i32
      %sign3A_186 = arith.cmpi slt, %add3A_86, %sign3A_185 : i32
      %sign3A_187 = arith.extui %sign3A_186 : i1 to i32
      %sign3A_188 = arith.subi %sign3A_184, %sign3A_187 : i32
      %sign3A_189 = arith.constant 0 : i32
      %sign3A_190 = arith.cmpi sgt, %jit3A_180, %sign3A_189 : i32
      %sign3A_191 = arith.extui %sign3A_190 : i1 to i32
      %sign3A_192 = arith.constant 0 : i32
      %sign3A_193 = arith.cmpi slt, %jit3A_180, %sign3A_192 : i32
      %sign3A_194 = arith.extui %sign3A_193 : i1 to i32
      %sign3A_195 = arith.subi %sign3A_191, %sign3A_194 : i32
      %ne3A_196 = arith.cmpi ne, %sign3A_188, %sign3A_195 : i32
      %rem3A_197 = arith.remsi %add3A_86, %jit3A_180 : i32
      %ne3A_198 = arith.constant 0 : i32
      %ne3A_199 = arith.cmpi ne, %rem3A_197, %ne3A_198 : i32
      %and3A_200 = arith.andi %ne3A_196, %ne3A_199 : i1
      %sub3A_201 = arith.constant 1 : i32
      %sub3A_202 = arith.subi %div3A_181, %sub3A_201 : i32
      %select_n3A_203 = arith.select %and3A_200, %sub3A_202, %div3A_181 : i32
      %jit3A_204 = arith.constant 32 : i32
      %eq3A_205 = arith.constant 0 : i32
      %eq3A_206 = arith.cmpi eq, %jit3A_204, %eq3A_205 : i32
      %jit3A_207 = arith.constant 1 : i32
      %select_n3A_208 = arith.select %eq3A_206, %jit3A_207, %jit3A_204 : i32
      %rem3A_209 = arith.remsi %add3A_86, %select_n3A_208 : i32
      %ne3A_210 = arith.constant 0 : i32
      %ne3A_211 = arith.cmpi ne, %rem3A_209, %ne3A_210 : i32
      %lt3A_212 = arith.constant 0 : i32
      %lt3A_213 = arith.cmpi slt, %rem3A_209, %lt3A_212 : i32
      %lt3A_214 = arith.constant 0 : i32
      %lt3A_215 = arith.cmpi slt, %select_n3A_208, %lt3A_214 : i32
      %ne3A_216 = arith.xori %lt3A_213, %lt3A_215 : i1
      %and3A_217 = arith.andi %ne3A_216, %ne3A_211 : i1
      %add3A_218 = arith.addi %rem3A_209, %select_n3A_208 : i32
      %select_n3A_219 = arith.select %and3A_217, %add3A_218, %rem3A_209 : i32
      %dma_start3A_220 = arith.constant 75264 : i32
      %dma_start3A_221 = tpu.memref_slice %arg2[%select_n3A_203, %select_n3A_219, %dma_start3A_220] : memref<26x32x100000xf32, #tpu.memory_space<hbm>> -> memref<1x1x24736xf32, #tpu.memory_space<hbm>>
      %dma_start3A_222 = tpu.memref_squeeze %dma_start3A_221 : memref<1x1x24736xf32, #tpu.memory_space<hbm>> -> memref<1x24736xf32, #tpu.memory_space<hbm>>
      %dma_start3A_223 = arith.constant 75264 : i32
      %dma_start3A_224 = tpu.memref_slice %arg2[%select_n3A_203, %select_n3A_219, %dma_start3A_223] : memref<26x32x100000xf32, #tpu.memory_space<hbm>> -> memref<1x1x24736xf32, #tpu.memory_space<hbm>>
      %dma_start3A_225 = tpu.memref_squeeze %dma_start3A_224 : memref<1x1x24736xf32, #tpu.memory_space<hbm>> -> memref<1x24736xf32, #tpu.memory_space<hbm>>
      tpu.enqueue_dma source(%dma_start3A_225 : memref<1x24736xf32, #tpu.memory_space<hbm>>) target(%arg6 : memref<1x24736xf32, #tpu.memory_space<vmem>>) target_semaphore(%arg9 : memref<!tpu.dma_semaphore, #tpu.memory_space<semaphore_mem>>)
      %jit3A_226 = arith.constant 32 : i32
      %div3A_227 = arith.divsi %add3A_86, %jit3A_226 : i32
      %sign3A_228 = arith.constant 0 : i32
      %sign3A_229 = arith.cmpi sgt, %add3A_86, %sign3A_228 : i32
      %sign3A_230 = arith.extui %sign3A_229 : i1 to i32
      %sign3A_231 = arith.constant 0 : i32
      %sign3A_232 = arith.cmpi slt, %add3A_86, %sign3A_231 : i32
      %sign3A_233 = arith.extui %sign3A_232 : i1 to i32
      %sign3A_234 = arith.subi %sign3A_230, %sign3A_233 : i32
      %sign3A_235 = arith.constant 0 : i32
      %sign3A_236 = arith.cmpi sgt, %jit3A_226, %sign3A_235 : i32
      %sign3A_237 = arith.extui %sign3A_236 : i1 to i32
      %sign3A_238 = arith.constant 0 : i32
      %sign3A_239 = arith.cmpi slt, %jit3A_226, %sign3A_238 : i32
      %sign3A_240 = arith.extui %sign3A_239 : i1 to i32
      %sign3A_241 = arith.subi %sign3A_237, %sign3A_240 : i32
      %ne3A_242 = arith.cmpi ne, %sign3A_234, %sign3A_241 : i32
      %rem3A_243 = arith.remsi %add3A_86, %jit3A_226 : i32
      %ne3A_244 = arith.constant 0 : i32
      %ne3A_245 = arith.cmpi ne, %rem3A_243, %ne3A_244 : i32
      %and3A_246 = arith.andi %ne3A_242, %ne3A_245 : i1
      %sub3A_247 = arith.constant 1 : i32
      %sub3A_248 = arith.subi %div3A_227, %sub3A_247 : i32
      %select_n3A_249 = arith.select %and3A_246, %sub3A_248, %div3A_227 : i32
      %jit3A_250 = arith.constant 32 : i32
      %eq3A_251 = arith.constant 0 : i32
      %eq3A_252 = arith.cmpi eq, %jit3A_250, %eq3A_251 : i32
      %jit3A_253 = arith.constant 1 : i32
      %select_n3A_254 = arith.select %eq3A_252, %jit3A_253, %jit3A_250 : i32
      %rem3A_255 = arith.remsi %add3A_86, %select_n3A_254 : i32
      %ne3A_256 = arith.constant 0 : i32
      %ne3A_257 = arith.cmpi ne, %rem3A_255, %ne3A_256 : i32
      %lt3A_258 = arith.constant 0 : i32
      %lt3A_259 = arith.cmpi slt, %rem3A_255, %lt3A_258 : i32
      %lt3A_260 = arith.constant 0 : i32
      %lt3A_261 = arith.cmpi slt, %select_n3A_254, %lt3A_260 : i32
      %ne3A_262 = arith.xori %lt3A_259, %lt3A_261 : i1
      %and3A_263 = arith.andi %ne3A_262, %ne3A_257 : i1
      %add3A_264 = arith.addi %rem3A_255, %select_n3A_254 : i32
      %select_n3A_265 = arith.select %and3A_263, %add3A_264, %rem3A_255 : i32
      %add3A_266 = arith.constant 0 : i32
      %add3A_267 = arith.addi %scan3A_84, %add3A_266 : i32
      %rem3A_268 = arith.constant 2 : i32
      %rem3A_269 = arith.remsi %add3A_267, %rem3A_268 : i32
      %dma_wait3A_270 = arith.constant 0 : i32
      %dma_wait3A_271 = arith.constant 0 : i32
      %dma_wait3A_272 = tpu.memref_slice %arg5[%rem3A_269, %dma_wait3A_270, %dma_wait3A_271] : memref<2x1x25088xf32, #tpu.memory_space<vmem>> -> memref<1x1x25088xf32, #tpu.memory_space<vmem>>
      %dma_wait3A_273 = tpu.memref_squeeze %dma_wait3A_272 : memref<1x1x25088xf32, #tpu.memory_space<vmem>> -> memref<1x25088xf32, #tpu.memory_space<vmem>>
      %dma_wait3A_274 = arith.constant 0 : i32
      %dma_wait3A_275 = tpu.memref_slice %arg2[%select_n3A_249, %select_n3A_265, %dma_wait3A_274] : memref<26x32x100000xf32, #tpu.memory_space<hbm>> -> memref<1x1x25088xf32, #tpu.memory_space<hbm>>
      %dma_wait3A_276 = tpu.memref_squeeze %dma_wait3A_275 : memref<1x1x25088xf32, #tpu.memory_space<hbm>> -> memref<1x25088xf32, #tpu.memory_space<hbm>>
      %dma_wait3A_277 = arith.constant 0 : i32
      %dma_wait3A_278 = arith.constant 0 : i32
      %dma_wait3A_279 = tpu.memref_slice %arg5[%rem3A_269, %dma_wait3A_277, %dma_wait3A_278] : memref<2x1x25088xf32, #tpu.memory_space<vmem>> -> memref<1x1x25088xf32, #tpu.memory_space<vmem>>
      %dma_wait3A_280 = tpu.memref_squeeze %dma_wait3A_279 : memref<1x1x25088xf32, #tpu.memory_space<vmem>> -> memref<1x25088xf32, #tpu.memory_space<vmem>>
      %dma_wait3A_281 = arith.constant 0 : i32
      %dma_wait3A_282 = tpu.memref_slice %arg2[%select_n3A_249, %select_n3A_265, %dma_wait3A_281] : memref<26x32x100000xf32, #tpu.memory_space<hbm>> -> memref<1x1x25088xf32, #tpu.memory_space<hbm>>
      %dma_wait3A_283 = tpu.memref_squeeze %dma_wait3A_282 : memref<1x1x25088xf32, #tpu.memory_space<hbm>> -> memref<1x25088xf32, #tpu.memory_space<hbm>>
      tpu.wait_dma2 semaphore(%arg9 : memref<!tpu.dma_semaphore, #tpu.memory_space<semaphore_mem>>) src(%dma_wait3A_283 : memref<1x25088xf32, #tpu.memory_space<hbm>>) dst(%dma_wait3A_280 : memref<1x25088xf32, #tpu.memory_space<vmem>>)
      %rem3A_284 = arith.constant 2 : i32
      %rem3A_285 = arith.remsi %scan3A_84, %rem3A_284 : i32
      %parallel_loop3A = arith.constant 0 : i32
      %parallel_loop3A_286 = arith.constant 1024 : i32
      %parallel_loop3A_287 = arith.constant 1 : i32
      %parallel_loop3A_288 = arith.constant 25087 : i32
      scf.for %parallel_loop3A_546 = %parallel_loop3A to %parallel_loop3A_286 step %parallel_loop3A_287  : i32 {
        %parallel_loop3A_547 = arith.constant 16 : i32
        %parallel_loop3A_548 = arith.muli %parallel_loop3A_546, %parallel_loop3A_547 : i32
        %parallel_loop3A_549 = arith.constant 0 : i32
        %parallel_loop3A_550 = arith.index_cast %parallel_loop3A_549 : i32 to index
        %parallel_loop3A_551 = arith.index_cast %parallel_loop3A_548 : i32 to index
        %parallel_loop3A_552 = tpu.vector_load %arg7[%parallel_loop3A_550, %parallel_loop3A_551] {strides = array<i32>} : memref<1x16384xi32, #tpu.memory_space<vmem>>, vector<16xi32>,
        %parallel_loop3A_553 = vector.bitcast %parallel_loop3A_552 : vector<16xi32> to vector<16xi32>
        %parallel_loop3A_554 = vector.broadcast %parallel_loop3A_288 : i32 to vector<16xi32>
        %parallel_loop3A_555 = arith.minui %parallel_loop3A_553, %parallel_loop3A_554 : vector<16xi32>
        %parallel_loop3A_556 = vector.bitcast %parallel_loop3A_555 : vector<16xi32> to vector<16xi32>
        %parallel_loop3A_557 = arith.constant 0 : i32
        %parallel_loop3A_558 = arith.constant 0 : i32
        %parallel_loop3A_559 = tpu.memref_slice %arg5[%rem3A_285, %parallel_loop3A_557, %parallel_loop3A_558] : memref<2x1x25088xf32, #tpu.memory_space<vmem>> -> memref<1x1x25088xf32, #tpu.memory_space<vmem>>
        %parallel_loop3A_560 = tpu.memref_squeeze %parallel_loop3A_559 : memref<1x1x25088xf32, #tpu.memory_space<vmem>> -> memref<1x25088xf32, #tpu.memory_space<vmem>>
        %parallel_loop3A_561 = tpu.vector_load_idx %parallel_loop3A_560[%broadcast_in_dim3A_121, %parallel_loop3A_556] : memref<1x25088xf32, #tpu.memory_space<vmem>>[vector<16xi32>, vector<16xi32>], vector<16xf32>,
        %parallel_loop3A_562 = arith.constant 16 : i32
        %parallel_loop3A_563 = arith.muli %parallel_loop3A_546, %parallel_loop3A_562 : i32
        %parallel_loop3A_564 = arith.constant 0 : i32
        %parallel_loop3A_565 = arith.constant 0 : i32
        %parallel_loop3A_566 = tpu.memref_slice %arg8[%rem3A_112, %parallel_loop3A_564, %parallel_loop3A_565] : memref<2x1x16384xf32, #tpu.memory_space<vmem>> -> memref<1x1x16384xf32, #tpu.memory_space<vmem>>
        %parallel_loop3A_567 = tpu.memref_squeeze %parallel_loop3A_566 : memref<1x1x16384xf32, #tpu.memory_space<vmem>> -> memref<16384xf32, #tpu.memory_space<vmem>>
        %parallel_loop3A_568 = arith.index_cast %parallel_loop3A_563 : i32 to index
        %parallel_loop3A_569 = tpu.vector_load %parallel_loop3A_567[%parallel_loop3A_568] {strides = array<i32>} : memref<16384xf32, #tpu.memory_space<vmem>>, vector<16xf32>,
        tpu.vector_store %parallel_loop3A_567[%parallel_loop3A_568], %parallel_loop3A_561 {strides = array<i32>} : memref<16384xf32, #tpu.memory_space<vmem>>, vector<16xf32>,
      } {sc.loop_unroll_factor = 4 : i64, sc.parallel_access}
      %jit3A_289 = arith.constant 32 : i32
      %div3A_290 = arith.divsi %add3A_86, %jit3A_289 : i32
      %sign3A_291 = arith.constant 0 : i32
      %sign3A_292 = arith.cmpi sgt, %add3A_86, %sign3A_291 : i32
      %sign3A_293 = arith.extui %sign3A_292 : i1 to i32
      %sign3A_294 = arith.constant 0 : i32
      %sign3A_295 = arith.cmpi slt, %add3A_86, %sign3A_294 : i32
      %sign3A_296 = arith.extui %sign3A_295 : i1 to i32
      %sign3A_297 = arith.subi %sign3A_293, %sign3A_296 : i32
      %sign3A_298 = arith.constant 0 : i32
      %sign3A_299 = arith.cmpi sgt, %jit3A_289, %sign3A_298 : i32
      %sign3A_300 = arith.extui %sign3A_299 : i1 to i32
      %sign3A_301 = arith.constant 0 : i32
      %sign3A_302 = arith.cmpi slt, %jit3A_289, %sign3A_301 : i32
      %sign3A_303 = arith.extui %sign3A_302 : i1 to i32
      %sign3A_304 = arith.subi %sign3A_300, %sign3A_303 : i32
      %ne3A_305 = arith.cmpi ne, %sign3A_297, %sign3A_304 : i32
      %rem3A_306 = arith.remsi %add3A_86, %jit3A_289 : i32
      %ne3A_307 = arith.constant 0 : i32
      %ne3A_308 = arith.cmpi ne, %rem3A_306, %ne3A_307 : i32
      %and3A_309 = arith.andi %ne3A_305, %ne3A_308 : i1
      %sub3A_310 = arith.constant 1 : i32
      %sub3A_311 = arith.subi %div3A_290, %sub3A_310 : i32
      %select_n3A_312 = arith.select %and3A_309, %sub3A_311, %div3A_290 : i32
      %jit3A_313 = arith.constant 32 : i32
      %eq3A_314 = arith.constant 0 : i32
      %eq3A_315 = arith.cmpi eq, %jit3A_313, %eq3A_314 : i32
      %jit3A_316 = arith.constant 1 : i32
      %select_n3A_317 = arith.select %eq3A_315, %jit3A_316, %jit3A_313 : i32
      %rem3A_318 = arith.remsi %add3A_86, %select_n3A_317 : i32
      %ne3A_319 = arith.constant 0 : i32
      %ne3A_320 = arith.cmpi ne, %rem3A_318, %ne3A_319 : i32
      %lt3A_321 = arith.constant 0 : i32
      %lt3A_322 = arith.cmpi slt, %rem3A_318, %lt3A_321 : i32
      %lt3A_323 = arith.constant 0 : i32
      %lt3A_324 = arith.cmpi slt, %select_n3A_317, %lt3A_323 : i32
      %ne3A_325 = arith.xori %lt3A_322, %lt3A_324 : i1
      %and3A_326 = arith.andi %ne3A_325, %ne3A_320 : i1
      %add3A_327 = arith.addi %rem3A_318, %select_n3A_317 : i32
      %select_n3A_328 = arith.select %and3A_326, %add3A_327, %rem3A_318 : i32
      %add3A_329 = arith.constant 2 : i32
      %add3A_330 = arith.addi %scan3A_84, %add3A_329 : i32
      %rem3A_331 = arith.constant 2 : i32
      %rem3A_332 = arith.remsi %add3A_330, %rem3A_331 : i32
      %dma_start3A_333 = arith.constant 0 : i32
      %dma_start3A_334 = arith.constant 0 : i32
      %dma_start3A_335 = tpu.memref_slice %arg5[%rem3A_332, %dma_start3A_333, %dma_start3A_334] : memref<2x1x25088xf32, #tpu.memory_space<vmem>> -> memref<1x1x25088xf32, #tpu.memory_space<vmem>>
      %dma_start3A_336 = tpu.memref_squeeze %dma_start3A_335 : memref<1x1x25088xf32, #tpu.memory_space<vmem>> -> memref<1x25088xf32, #tpu.memory_space<vmem>>
      %dma_start3A_337 = arith.constant 50176 : i32
      %dma_start3A_338 = tpu.memref_slice %arg2[%select_n3A_312, %select_n3A_328, %dma_start3A_337] : memref<26x32x100000xf32, #tpu.memory_space<hbm>> -> memref<1x1x25088xf32, #tpu.memory_space<hbm>>
      %dma_start3A_339 = tpu.memref_squeeze %dma_start3A_338 : memref<1x1x25088xf32, #tpu.memory_space<hbm>> -> memref<1x25088xf32, #tpu.memory_space<hbm>>
      %dma_start3A_340 = arith.constant 0 : i32
      %dma_start3A_341 = arith.constant 0 : i32
      %dma_start3A_342 = tpu.memref_slice %arg5[%rem3A_332, %dma_start3A_340, %dma_start3A_341] : memref<2x1x25088xf32, #tpu.memory_space<vmem>> -> memref<1x1x25088xf32, #tpu.memory_space<vmem>>
      %dma_start3A_343 = tpu.memref_squeeze %dma_start3A_342 : memref<1x1x25088xf32, #tpu.memory_space<vmem>> -> memref<1x25088xf32, #tpu.memory_space<vmem>>
      %dma_start3A_344 = arith.constant 50176 : i32
      %dma_start3A_345 = tpu.memref_slice %arg2[%select_n3A_312, %select_n3A_328, %dma_start3A_344] : memref<26x32x100000xf32, #tpu.memory_space<hbm>> -> memref<1x1x25088xf32, #tpu.memory_space<hbm>>
      %dma_start3A_346 = tpu.memref_squeeze %dma_start3A_345 : memref<1x1x25088xf32, #tpu.memory_space<hbm>> -> memref<1x25088xf32, #tpu.memory_space<hbm>>
      tpu.enqueue_dma source(%dma_start3A_346 : memref<1x25088xf32, #tpu.memory_space<hbm>>) target(%dma_start3A_343 : memref<1x25088xf32, #tpu.memory_space<vmem>>) target_semaphore(%arg9 : memref<!tpu.dma_semaphore, #tpu.memory_space<semaphore_mem>>)
      %jit3A_347 = arith.constant 32 : i32
      %div3A_348 = arith.divsi %add3A_86, %jit3A_347 : i32
      %sign3A_349 = arith.constant 0 : i32
      %sign3A_350 = arith.cmpi sgt, %add3A_86, %sign3A_349 : i32
      %sign3A_351 = arith.extui %sign3A_350 : i1 to i32
      %sign3A_352 = arith.constant 0 : i32
      %sign3A_353 = arith.cmpi slt, %add3A_86, %sign3A_352 : i32
      %sign3A_354 = arith.extui %sign3A_353 : i1 to i32
      %sign3A_355 = arith.subi %sign3A_351, %sign3A_354 : i32
      %sign3A_356 = arith.constant 0 : i32
      %sign3A_357 = arith.cmpi sgt, %jit3A_347, %sign3A_356 : i32
      %sign3A_358 = arith.extui %sign3A_357 : i1 to i32
      %sign3A_359 = arith.constant 0 : i32
      %sign3A_360 = arith.cmpi slt, %jit3A_347, %sign3A_359 : i32
      %sign3A_361 = arith.extui %sign3A_360 : i1 to i32
      %sign3A_362 = arith.subi %sign3A_358, %sign3A_361 : i32
      %ne3A_363 = arith.cmpi ne, %sign3A_355, %sign3A_362 : i32
      %rem3A_364 = arith.remsi %add3A_86, %jit3A_347 : i32
      %ne3A_365 = arith.constant 0 : i32
      %ne3A_366 = arith.cmpi ne, %rem3A_364, %ne3A_365 : i32
      %and3A_367 = arith.andi %ne3A_363, %ne3A_366 : i1
      %sub3A_368 = arith.constant 1 : i32
      %sub3A_369 = arith.subi %div3A_348, %sub3A_368 : i32
      %select_n3A_370 = arith.select %and3A_367, %sub3A_369, %div3A_348 : i32
      %jit3A_371 = arith.constant 32 : i32
      %eq3A_372 = arith.constant 0 : i32
      %eq3A_373 = arith.cmpi eq, %jit3A_371, %eq3A_372 : i32
      %jit3A_374 = arith.constant 1 : i32
      %select_n3A_375 = arith.select %eq3A_373, %jit3A_374, %jit3A_371 : i32
      %rem3A_376 = arith.remsi %add3A_86, %select_n3A_375 : i32
      %ne3A_377 = arith.constant 0 : i32
      %ne3A_378 = arith.cmpi ne, %rem3A_376, %ne3A_377 : i32
      %lt3A_379 = arith.constant 0 : i32
      %lt3A_380 = arith.cmpi slt, %rem3A_376, %lt3A_379 : i32
      %lt3A_381 = arith.constant 0 : i32
      %lt3A_382 = arith.cmpi slt, %select_n3A_375, %lt3A_381 : i32
      %ne3A_383 = arith.xori %lt3A_380, %lt3A_382 : i1
      %and3A_384 = arith.andi %ne3A_383, %ne3A_378 : i1
      %add3A_385 = arith.addi %rem3A_376, %select_n3A_375 : i32
      %select_n3A_386 = arith.select %and3A_384, %add3A_385, %rem3A_376 : i32
      %add3A_387 = arith.constant 1 : i32
      %add3A_388 = arith.addi %scan3A_84, %add3A_387 : i32
      %rem3A_389 = arith.constant 2 : i32
      %rem3A_390 = arith.remsi %add3A_388, %rem3A_389 : i32
      %dma_wait3A_391 = arith.constant 0 : i32
      %dma_wait3A_392 = arith.constant 0 : i32
      %dma_wait3A_393 = tpu.memref_slice %arg5[%rem3A_390, %dma_wait3A_391, %dma_wait3A_392] : memref<2x1x25088xf32, #tpu.memory_space<vmem>> -> memref<1x1x25088xf32, #tpu.memory_space<vmem>>
      %dma_wait3A_394 = tpu.memref_squeeze %dma_wait3A_393 : memref<1x1x25088xf32, #tpu.memory_space<vmem>> -> memref<1x25088xf32, #tpu.memory_space<vmem>>
      %dma_wait3A_395 = arith.constant 25088 : i32
      %dma_wait3A_396 = tpu.memref_slice %arg2[%select_n3A_370, %select_n3A_386, %dma_wait3A_395] : memref<26x32x100000xf32, #tpu.memory_space<hbm>> -> memref<1x1x25088xf32, #tpu.memory_space<hbm>>
      %dma_wait3A_397 = tpu.memref_squeeze %dma_wait3A_396 : memref<1x1x25088xf32, #tpu.memory_space<hbm>> -> memref<1x25088xf32, #tpu.memory_space<hbm>>
      %dma_wait3A_398 = arith.constant 0 : i32
      %dma_wait3A_399 = arith.constant 0 : i32
      %dma_wait3A_400 = tpu.memref_slice %arg5[%rem3A_390, %dma_wait3A_398, %dma_wait3A_399] : memref<2x1x25088xf32, #tpu.memory_space<vmem>> -> memref<1x1x25088xf32, #tpu.memory_space<vmem>>
      %dma_wait3A_401 = tpu.memref_squeeze %dma_wait3A_400 : memref<1x1x25088xf32, #tpu.memory_space<vmem>> -> memref<1x25088xf32, #tpu.memory_space<vmem>>
      %dma_wait3A_402 = arith.constant 25088 : i32
      %dma_wait3A_403 = tpu.memref_slice %arg2[%select_n3A_370, %select_n3A_386, %dma_wait3A_402] : memref<26x32x100000xf32, #tpu.memory_space<hbm>> -> memref<1x1x25088xf32, #tpu.memory_space<hbm>>
      %dma_wait3A_404 = tpu.memref_squeeze %dma_wait3A_403 : memref<1x1x25088xf32, #tpu.memory_space<hbm>> -> memref<1x25088xf32, #tpu.memory_space<hbm>>
      tpu.wait_dma2 semaphore(%arg9 : memref<!tpu.dma_semaphore, #tpu.memory_space<semaphore_mem>>) src(%dma_wait3A_404 : memref<1x25088xf32, #tpu.memory_space<hbm>>) dst(%dma_wait3A_401 : memref<1x25088xf32, #tpu.memory_space<vmem>>)
      %add3A_405 = arith.constant 1 : i32
      %add3A_406 = arith.addi %scan3A_84, %add3A_405 : i32
      %rem3A_407 = arith.constant 2 : i32
      %rem3A_408 = arith.remsi %add3A_406, %rem3A_407 : i32
      %parallel_loop3A_409 = arith.constant 0 : i32
      %parallel_loop3A_410 = arith.constant 1024 : i32
      %parallel_loop3A_411 = arith.constant 1 : i32
      %parallel_loop3A_412 = arith.constant 25087 : i32
      %parallel_loop3A_413 = arith.constant 25088 : i32
      scf.for %parallel_loop3A_546 = %parallel_loop3A_409 to %parallel_loop3A_410 step %parallel_loop3A_411  : i32 {
        %parallel_loop3A_547 = arith.constant 16 : i32
        %parallel_loop3A_548 = arith.muli %parallel_loop3A_546, %parallel_loop3A_547 : i32
        %parallel_loop3A_549 = arith.constant 0 : i32
        %parallel_loop3A_550 = arith.index_cast %parallel_loop3A_549 : i32 to index
        %parallel_loop3A_551 = arith.index_cast %parallel_loop3A_548 : i32 to index
        %parallel_loop3A_552 = tpu.vector_load %arg7[%parallel_loop3A_550, %parallel_loop3A_551] {strides = array<i32>} : memref<1x16384xi32, #tpu.memory_space<vmem>>, vector<16xi32>,
        %parallel_loop3A_553 = arith.constant 25088 : i32
        %parallel_loop3A_554 = vector.broadcast %parallel_loop3A_553 : i32 to vector<16xi32>
        %parallel_loop3A_555 = arith.subi %parallel_loop3A_552, %parallel_loop3A_554 : vector<16xi32>
        %parallel_loop3A_556 = vector.bitcast %parallel_loop3A_555 : vector<16xi32> to vector<16xi32>
        %parallel_loop3A_557 = vector.broadcast %parallel_loop3A_412 : i32 to vector<16xi32>
        %parallel_loop3A_558 = arith.minui %parallel_loop3A_556, %parallel_loop3A_557 : vector<16xi32>
        %parallel_loop3A_559 = vector.bitcast %parallel_loop3A_558 : vector<16xi32> to vector<16xi32>
        %parallel_loop3A_560 = arith.constant 0 : i32
        %parallel_loop3A_561 = arith.constant 0 : i32
        %parallel_loop3A_562 = tpu.memref_slice %arg5[%rem3A_408, %parallel_loop3A_560, %parallel_loop3A_561] : memref<2x1x25088xf32, #tpu.memory_space<vmem>> -> memref<1x1x25088xf32, #tpu.memory_space<vmem>>
        %parallel_loop3A_563 = tpu.memref_squeeze %parallel_loop3A_562 : memref<1x1x25088xf32, #tpu.memory_space<vmem>> -> memref<1x25088xf32, #tpu.memory_space<vmem>>
        %parallel_loop3A_564 = tpu.vector_load_idx %parallel_loop3A_563[%broadcast_in_dim3A_121, %parallel_loop3A_559] : memref<1x25088xf32, #tpu.memory_space<vmem>>[vector<16xi32>, vector<16xi32>], vector<16xf32>,
        %parallel_loop3A_565 = vector.broadcast %parallel_loop3A_413 : i32 to vector<16xi32>
        %parallel_loop3A_566 = arith.cmpi ult, %parallel_loop3A_556, %parallel_loop3A_565 : vector<16xi32>
        %parallel_loop3A_567 = arith.constant 16 : i32
        %parallel_loop3A_568 = arith.muli %parallel_loop3A_546, %parallel_loop3A_567 : i32
        %parallel_loop3A_569 = vector.broadcast %parallel_loop3A_568 : i32 to vector<16xi32>
        %parallel_loop3A_570 = arith.addi %iota3A, %parallel_loop3A_569 : vector<16xi32>
        %parallel_loop3A_571 = arith.constant 0 : i32
        %parallel_loop3A_572 = arith.constant 0 : i32
        %parallel_loop3A_573 = tpu.memref_slice %arg8[%rem3A_112, %parallel_loop3A_571, %parallel_loop3A_572] : memref<2x1x16384xf32, #tpu.memory_space<vmem>> -> memref<1x1x16384xf32, #tpu.memory_space<vmem>>
        %parallel_loop3A_574 = tpu.memref_squeeze %parallel_loop3A_573 : memref<1x1x16384xf32, #tpu.memory_space<vmem>> -> memref<1x16384xf32, #tpu.memory_space<vmem>>
        tpu.vector_store_idx %parallel_loop3A_574[%broadcast_in_dim3A_121, %parallel_loop3A_570], %parallel_loop3A_564 masked %parallel_loop3A_566 : memref<1x16384xf32, #tpu.memory_space<vmem>>[vector<16xi32>, vector<16xi32>], vector<16xf32>, vector<16xi1>
      } {sc.loop_unroll_factor = 4 : i64, sc.parallel_access}
      %add3A_414 = arith.constant 1 : i32
      %add3A_415 = arith.addi %scan3A_84, %add3A_414 : i32
      %lt3A_416 = arith.constant 26 : i32
      %lt3A_417 = arith.cmpi slt, %add3A_415, %lt3A_416 : i32
      %convert_element_type3A_418 = arith.extui %lt3A_417 : i1 to i32
      %cond3A_419 = arith.constant 0 : i32
      %cond3A_420 = arith.cmpi ne, %convert_element_type3A_418, %cond3A_419 : i32
      scf.if %cond3A_420 {
        %add3A_546 = arith.constant 1 : i32
        %add3A_547 = arith.addi %add3A_86, %add3A_546 : i32
        %add3A_548 = arith.constant 1 : i32
        %add3A_549 = arith.addi %scan3A_84, %add3A_548 : i32
        %jit3A_550 = arith.constant 32 : i32
        %div3A_551 = arith.divsi %add3A_547, %jit3A_550 : i32
        %sign3A_552 = arith.constant 0 : i32
        %sign3A_553 = arith.cmpi sgt, %add3A_547, %sign3A_552 : i32
        %sign3A_554 = arith.extui %sign3A_553 : i1 to i32
        %sign3A_555 = arith.constant 0 : i32
        %sign3A_556 = arith.cmpi slt, %add3A_547, %sign3A_555 : i32
        %sign3A_557 = arith.extui %sign3A_556 : i1 to i32
        %sign3A_558 = arith.subi %sign3A_554, %sign3A_557 : i32
        %sign3A_559 = arith.constant 0 : i32
        %sign3A_560 = arith.cmpi sgt, %jit3A_550, %sign3A_559 : i32
        %sign3A_561 = arith.extui %sign3A_560 : i1 to i32
        %sign3A_562 = arith.constant 0 : i32
        %sign3A_563 = arith.cmpi slt, %jit3A_550, %sign3A_562 : i32
        %sign3A_564 = arith.extui %sign3A_563 : i1 to i32
        %sign3A_565 = arith.subi %sign3A_561, %sign3A_564 : i32
        %ne3A_566 = arith.cmpi ne, %sign3A_558, %sign3A_565 : i32
        %rem3A_567 = arith.remsi %add3A_547, %jit3A_550 : i32
        %ne3A_568 = arith.constant 0 : i32
        %ne3A_569 = arith.cmpi ne, %rem3A_567, %ne3A_568 : i32
        %and3A_570 = arith.andi %ne3A_566, %ne3A_569 : i1
        %sub3A_571 = arith.constant 1 : i32
        %sub3A_572 = arith.subi %div3A_551, %sub3A_571 : i32
        %select_n3A_573 = arith.select %and3A_570, %sub3A_572, %div3A_551 : i32
        %jit3A_574 = arith.constant 32 : i32
        %eq3A_575 = arith.constant 0 : i32
        %eq3A_576 = arith.cmpi eq, %jit3A_574, %eq3A_575 : i32
        %jit3A_577 = arith.constant 1 : i32
        %select_n3A_578 = arith.select %eq3A_576, %jit3A_577, %jit3A_574 : i32
        %rem3A_579 = arith.remsi %add3A_547, %select_n3A_578 : i32
        %ne3A_580 = arith.constant 0 : i32
        %ne3A_581 = arith.cmpi ne, %rem3A_579, %ne3A_580 : i32
        %lt3A_582 = arith.constant 0 : i32
        %lt3A_583 = arith.cmpi slt, %rem3A_579, %lt3A_582 : i32
        %lt3A_584 = arith.constant 0 : i32
        %lt3A_585 = arith.cmpi slt, %select_n3A_578, %lt3A_584 : i32
        %ne3A_586 = arith.xori %lt3A_583, %lt3A_585 : i1
        %and3A_587 = arith.andi %ne3A_586, %ne3A_581 : i1
        %add3A_588 = arith.addi %rem3A_579, %select_n3A_578 : i32
        %select_n3A_589 = arith.select %and3A_587, %add3A_588, %rem3A_579 : i32
        %add3A_590 = arith.constant 0 : i32
        %add3A_591 = arith.addi %add3A_549, %add3A_590 : i32
        %rem3A_592 = arith.constant 2 : i32
        %rem3A_593 = arith.remsi %add3A_591, %rem3A_592 : i32
        %dma_start3A_594 = arith.constant 0 : i32
        %dma_start3A_595 = arith.constant 0 : i32
        %dma_start3A_596 = tpu.memref_slice %arg5[%rem3A_593, %dma_start3A_594, %dma_start3A_595] : memref<2x1x25088xf32, #tpu.memory_space<vmem>> -> memref<1x1x25088xf32, #tpu.memory_space<vmem>>
        %dma_start3A_597 = tpu.memref_squeeze %dma_start3A_596 : memref<1x1x25088xf32, #tpu.memory_space<vmem>> -> memref<1x25088xf32, #tpu.memory_space<vmem>>
        %dma_start3A_598 = arith.constant 0 : i32
        %dma_start3A_599 = tpu.memref_slice %arg2[%select_n3A_573, %select_n3A_589, %dma_start3A_598] : memref<26x32x100000xf32, #tpu.memory_space<hbm>> -> memref<1x1x25088xf32, #tpu.memory_space<hbm>>
        %dma_start3A_600 = tpu.memref_squeeze %dma_start3A_599 : memref<1x1x25088xf32, #tpu.memory_space<hbm>> -> memref<1x25088xf32, #tpu.memory_space<hbm>>
        %dma_start3A_601 = arith.constant 0 : i32
        %dma_start3A_602 = arith.constant 0 : i32
        %dma_start3A_603 = tpu.memref_slice %arg5[%rem3A_593, %dma_start3A_601, %dma_start3A_602] : memref<2x1x25088xf32, #tpu.memory_space<vmem>> -> memref<1x1x25088xf32, #tpu.memory_space<vmem>>
        %dma_start3A_604 = tpu.memref_squeeze %dma_start3A_603 : memref<1x1x25088xf32, #tpu.memory_space<vmem>> -> memref<1x25088xf32, #tpu.memory_space<vmem>>
        %dma_start3A_605 = arith.constant 0 : i32
        %dma_start3A_606 = tpu.memref_slice %arg2[%select_n3A_573, %select_n3A_589, %dma_start3A_605] : memref<26x32x100000xf32, #tpu.memory_space<hbm>> -> memref<1x1x25088xf32, #tpu.memory_space<hbm>>
        %dma_start3A_607 = tpu.memref_squeeze %dma_start3A_606 : memref<1x1x25088xf32, #tpu.memory_space<hbm>> -> memref<1x25088xf32, #tpu.memory_space<hbm>>
        tpu.enqueue_dma source(%dma_start3A_607 : memref<1x25088xf32, #tpu.memory_space<hbm>>) target(%dma_start3A_604 : memref<1x25088xf32, #tpu.memory_space<vmem>>) target_semaphore(%arg9 : memref<!tpu.dma_semaphore, #tpu.memory_space<semaphore_mem>>)
      } else {
      }
      %jit3A_421 = arith.constant 32 : i32
      %div3A_422 = arith.divsi %add3A_86, %jit3A_421 : i32
      %sign3A_423 = arith.constant 0 : i32
      %sign3A_424 = arith.cmpi sgt, %add3A_86, %sign3A_423 : i32
      %sign3A_425 = arith.extui %sign3A_424 : i1 to i32
      %sign3A_426 = arith.constant 0 : i32
      %sign3A_427 = arith.cmpi slt, %add3A_86, %sign3A_426 : i32
      %sign3A_428 = arith.extui %sign3A_427 : i1 to i32
      %sign3A_429 = arith.subi %sign3A_425, %sign3A_428 : i32
      %sign3A_430 = arith.constant 0 : i32
      %sign3A_431 = arith.cmpi sgt, %jit3A_421, %sign3A_430 : i32
      %sign3A_432 = arith.extui %sign3A_431 : i1 to i32
      %sign3A_433 = arith.constant 0 : i32
      %sign3A_434 = arith.cmpi slt, %jit3A_421, %sign3A_433 : i32
      %sign3A_435 = arith.extui %sign3A_434 : i1 to i32
      %sign3A_436 = arith.subi %sign3A_432, %sign3A_435 : i32
      %ne3A_437 = arith.cmpi ne, %sign3A_429, %sign3A_436 : i32
      %rem3A_438 = arith.remsi %add3A_86, %jit3A_421 : i32
      %ne3A_439 = arith.constant 0 : i32
      %ne3A_440 = arith.cmpi ne, %rem3A_438, %ne3A_439 : i32
      %and3A_441 = arith.andi %ne3A_437, %ne3A_440 : i1
      %sub3A_442 = arith.constant 1 : i32
      %sub3A_443 = arith.subi %div3A_422, %sub3A_442 : i32
      %select_n3A_444 = arith.select %and3A_441, %sub3A_443, %div3A_422 : i32
      %jit3A_445 = arith.constant 32 : i32
      %eq3A_446 = arith.constant 0 : i32
      %eq3A_447 = arith.cmpi eq, %jit3A_445, %eq3A_446 : i32
      %jit3A_448 = arith.constant 1 : i32
      %select_n3A_449 = arith.select %eq3A_447, %jit3A_448, %jit3A_445 : i32
      %rem3A_450 = arith.remsi %add3A_86, %select_n3A_449 : i32
      %ne3A_451 = arith.constant 0 : i32
      %ne3A_452 = arith.cmpi ne, %rem3A_450, %ne3A_451 : i32
      %lt3A_453 = arith.constant 0 : i32
      %lt3A_454 = arith.cmpi slt, %rem3A_450, %lt3A_453 : i32
      %lt3A_455 = arith.constant 0 : i32
      %lt3A_456 = arith.cmpi slt, %select_n3A_449, %lt3A_455 : i32
      %ne3A_457 = arith.xori %lt3A_454, %lt3A_456 : i1
      %and3A_458 = arith.andi %ne3A_457, %ne3A_452 : i1
      %add3A_459 = arith.addi %rem3A_450, %select_n3A_449 : i32
      %select_n3A_460 = arith.select %and3A_458, %add3A_459, %rem3A_450 : i32
      %dma_wait3A_461 = arith.constant 75264 : i32
      %dma_wait3A_462 = tpu.memref_slice %arg2[%select_n3A_444, %select_n3A_460, %dma_wait3A_461] : memref<26x32x100000xf32, #tpu.memory_space<hbm>> -> memref<1x1x24736xf32, #tpu.memory_space<hbm>>
      %dma_wait3A_463 = tpu.memref_squeeze %dma_wait3A_462 : memref<1x1x24736xf32, #tpu.memory_space<hbm>> -> memref<1x24736xf32, #tpu.memory_space<hbm>>
      %dma_wait3A_464 = arith.constant 75264 : i32
      %dma_wait3A_465 = tpu.memref_slice %arg2[%select_n3A_444, %select_n3A_460, %dma_wait3A_464] : memref<26x32x100000xf32, #tpu.memory_space<hbm>> -> memref<1x1x24736xf32, #tpu.memory_space<hbm>>
      %dma_wait3A_466 = tpu.memref_squeeze %dma_wait3A_465 : memref<1x1x24736xf32, #tpu.memory_space<hbm>> -> memref<1x24736xf32, #tpu.memory_space<hbm>>
      tpu.wait_dma2 semaphore(%arg9 : memref<!tpu.dma_semaphore, #tpu.memory_space<semaphore_mem>>) src(%dma_wait3A_466 : memref<1x24736xf32, #tpu.memory_space<hbm>>) dst(%arg6 : memref<1x24736xf32, #tpu.memory_space<vmem>>)
      %jit3A_467 = arith.constant 32 : i32
      %div3A_468 = arith.divsi %add3A_86, %jit3A_467 : i32
      %sign3A_469 = arith.constant 0 : i32
      %sign3A_470 = arith.cmpi sgt, %add3A_86, %sign3A_469 : i32
      %sign3A_471 = arith.extui %sign3A_470 : i1 to i32
      %sign3A_472 = arith.constant 0 : i32
      %sign3A_473 = arith.cmpi slt, %add3A_86, %sign3A_472 : i32
      %sign3A_474 = arith.extui %sign3A_473 : i1 to i32
      %sign3A_475 = arith.subi %sign3A_471, %sign3A_474 : i32
      %sign3A_476 = arith.constant 0 : i32
      %sign3A_477 = arith.cmpi sgt, %jit3A_467, %sign3A_476 : i32
      %sign3A_478 = arith.extui %sign3A_477 : i1 to i32
      %sign3A_479 = arith.constant 0 : i32
      %sign3A_480 = arith.cmpi slt, %jit3A_467, %sign3A_479 : i32
      %sign3A_481 = arith.extui %sign3A_480 : i1 to i32
      %sign3A_482 = arith.subi %sign3A_478, %sign3A_481 : i32
      %ne3A_483 = arith.cmpi ne, %sign3A_475, %sign3A_482 : i32
      %rem3A_484 = arith.remsi %add3A_86, %jit3A_467 : i32
      %ne3A_485 = arith.constant 0 : i32
      %ne3A_486 = arith.cmpi ne, %rem3A_484, %ne3A_485 : i32
      %and3A_487 = arith.andi %ne3A_483, %ne3A_486 : i1
      %sub3A_488 = arith.constant 1 : i32
      %sub3A_489 = arith.subi %div3A_468, %sub3A_488 : i32
      %select_n3A_490 = arith.select %and3A_487, %sub3A_489, %div3A_468 : i32
      %jit3A_491 = arith.constant 32 : i32
      %eq3A_492 = arith.constant 0 : i32
      %eq3A_493 = arith.cmpi eq, %jit3A_491, %eq3A_492 : i32
      %jit3A_494 = arith.constant 1 : i32
      %select_n3A_495 = arith.select %eq3A_493, %jit3A_494, %jit3A_491 : i32
      %rem3A_496 = arith.remsi %add3A_86, %select_n3A_495 : i32
      %ne3A_497 = arith.constant 0 : i32
      %ne3A_498 = arith.cmpi ne, %rem3A_496, %ne3A_497 : i32
      %lt3A_499 = arith.constant 0 : i32
      %lt3A_500 = arith.cmpi slt, %rem3A_496, %lt3A_499 : i32
      %lt3A_501 = arith.constant 0 : i32
      %lt3A_502 = arith.cmpi slt, %select_n3A_495, %lt3A_501 : i32
      %ne3A_503 = arith.xori %lt3A_500, %lt3A_502 : i1
      %and3A_504 = arith.andi %ne3A_503, %ne3A_498 : i1
      %add3A_505 = arith.addi %rem3A_496, %select_n3A_495 : i32
      %select_n3A_506 = arith.select %and3A_504, %add3A_505, %rem3A_496 : i32
      %add3A_507 = arith.constant 2 : i32
      %add3A_508 = arith.addi %scan3A_84, %add3A_507 : i32
      %rem3A_509 = arith.constant 2 : i32
      %rem3A_510 = arith.remsi %add3A_508, %rem3A_509 : i32
      %dma_wait3A_511 = arith.constant 0 : i32
      %dma_wait3A_512 = arith.constant 0 : i32
      %dma_wait3A_513 = tpu.memref_slice %arg5[%rem3A_510, %dma_wait3A_511, %dma_wait3A_512] : memref<2x1x25088xf32, #tpu.memory_space<vmem>> -> memref<1x1x25088xf32, #tpu.memory_space<vmem>>
      %dma_wait3A_514 = tpu.memref_squeeze %dma_wait3A_513 : memref<1x1x25088xf32, #tpu.memory_space<vmem>> -> memref<1x25088xf32, #tpu.memory_space<vmem>>
      %dma_wait3A_515 = arith.constant 50176 : i32
      %dma_wait3A_516 = tpu.memref_slice %arg2[%select_n3A_490, %select_n3A_506, %dma_wait3A_515] : memref<26x32x100000xf32, #tpu.memory_space<hbm>> -> memref<1x1x25088xf32, #tpu.memory_space<hbm>>
      %dma_wait3A_517 = tpu.memref_squeeze %dma_wait3A_516 : memref<1x1x25088xf32, #tpu.memory_space<hbm>> -> memref<1x25088xf32, #tpu.memory_space<hbm>>
      %dma_wait3A_518 = arith.constant 0 : i32
      %dma_wait3A_519 = arith.constant 0 : i32
      %dma_wait3A_520 = tpu.memref_slice %arg5[%rem3A_510, %dma_wait3A_518, %dma_wait3A_519] : memref<2x1x25088xf32, #tpu.memory_space<vmem>> -> memref<1x1x25088xf32, #tpu.memory_space<vmem>>
      %dma_wait3A_521 = tpu.memref_squeeze %dma_wait3A_520 : memref<1x1x25088xf32, #tpu.memory_space<vmem>> -> memref<1x25088xf32, #tpu.memory_space<vmem>>
      %dma_wait3A_522 = arith.constant 50176 : i32
      %dma_wait3A_523 = tpu.memref_slice %arg2[%select_n3A_490, %select_n3A_506, %dma_wait3A_522] : memref<26x32x100000xf32, #tpu.memory_space<hbm>> -> memref<1x1x25088xf32, #tpu.memory_space<hbm>>
      %dma_wait3A_524 = tpu.memref_squeeze %dma_wait3A_523 : memref<1x1x25088xf32, #tpu.memory_space<hbm>> -> memref<1x25088xf32, #tpu.memory_space<hbm>>
      tpu.wait_dma2 semaphore(%arg9 : memref<!tpu.dma_semaphore, #tpu.memory_space<semaphore_mem>>) src(%dma_wait3A_524 : memref<1x25088xf32, #tpu.memory_space<hbm>>) dst(%dma_wait3A_521 : memref<1x25088xf32, #tpu.memory_space<vmem>>)
      %rem3A_525 = arith.constant 2 : i32
      %rem3A_526 = arith.remsi %scan3A_84, %rem3A_525 : i32
      %parallel_loop3A_527 = arith.constant 0 : i32
      %parallel_loop3A_528 = arith.constant 1024 : i32
      %parallel_loop3A_529 = arith.constant 1 : i32
      %parallel_loop3A_530 = arith.constant 25087 : i32
      %parallel_loop3A_531 = arith.constant 25088 : i32
      %parallel_loop3A_532 = arith.constant 24735 : i32
      %parallel_loop3A_533 = arith.constant 24736 : i32
      scf.for %parallel_loop3A_546 = %parallel_loop3A_527 to %parallel_loop3A_528 step %parallel_loop3A_529  : i32 {
        %parallel_loop3A_547 = arith.constant 16 : i32
        %parallel_loop3A_548 = arith.muli %parallel_loop3A_546, %parallel_loop3A_547 : i32
        %parallel_loop3A_549 = arith.constant 0 : i32
        %parallel_loop3A_550 = arith.index_cast %parallel_loop3A_549 : i32 to index
        %parallel_loop3A_551 = arith.index_cast %parallel_loop3A_548 : i32 to index
        %parallel_loop3A_552 = tpu.vector_load %arg7[%parallel_loop3A_550, %parallel_loop3A_551] {strides = array<i32>} : memref<1x16384xi32, #tpu.memory_space<vmem>>, vector<16xi32>,
        %parallel_loop3A_553 = arith.constant 16 : i32
        %parallel_loop3A_554 = arith.muli %parallel_loop3A_546, %parallel_loop3A_553 : i32
        %parallel_loop3A_555 = vector.broadcast %parallel_loop3A_554 : i32 to vector<16xi32>
        %parallel_loop3A_556 = arith.addi %iota3A, %parallel_loop3A_555 : vector<16xi32>
        %parallel_loop3A_557 = arith.constant 50176 : i32
        %parallel_loop3A_558 = vector.broadcast %parallel_loop3A_557 : i32 to vector<16xi32>
        %parallel_loop3A_559 = arith.subi %parallel_loop3A_552, %parallel_loop3A_558 : vector<16xi32>
        %parallel_loop3A_560 = vector.bitcast %parallel_loop3A_559 : vector<16xi32> to vector<16xi32>
        %parallel_loop3A_561 = vector.broadcast %parallel_loop3A_530 : i32 to vector<16xi32>
        %parallel_loop3A_562 = arith.minui %parallel_loop3A_560, %parallel_loop3A_561 : vector<16xi32>
        %parallel_loop3A_563 = vector.bitcast %parallel_loop3A_562 : vector<16xi32> to vector<16xi32>
        %parallel_loop3A_564 = arith.constant 0 : i32
        %parallel_loop3A_565 = arith.constant 0 : i32
        %parallel_loop3A_566 = tpu.memref_slice %arg5[%rem3A_526, %parallel_loop3A_564, %parallel_loop3A_565] : memref<2x1x25088xf32, #tpu.memory_space<vmem>> -> memref<1x1x25088xf32, #tpu.memory_space<vmem>>
        %parallel_loop3A_567 = tpu.memref_squeeze %parallel_loop3A_566 : memref<1x1x25088xf32, #tpu.memory_space<vmem>> -> memref<1x25088xf32, #tpu.memory_space<vmem>>
        %parallel_loop3A_568 = tpu.vector_load_idx %parallel_loop3A_567[%broadcast_in_dim3A_121, %parallel_loop3A_563] : memref<1x25088xf32, #tpu.memory_space<vmem>>[vector<16xi32>, vector<16xi32>], vector<16xf32>,
        %parallel_loop3A_569 = vector.broadcast %parallel_loop3A_531 : i32 to vector<16xi32>
        %parallel_loop3A_570 = arith.cmpi ult, %parallel_loop3A_560, %parallel_loop3A_569 : vector<16xi32>
        %parallel_loop3A_571 = arith.constant 0 : i32
        %parallel_loop3A_572 = arith.constant 0 : i32
        %parallel_loop3A_573 = tpu.memref_slice %arg8[%rem3A_112, %parallel_loop3A_571, %parallel_loop3A_572] : memref<2x1x16384xf32, #tpu.memory_space<vmem>> -> memref<1x1x16384xf32, #tpu.memory_space<vmem>>
        %parallel_loop3A_574 = tpu.memref_squeeze %parallel_loop3A_573 : memref<1x1x16384xf32, #tpu.memory_space<vmem>> -> memref<1x16384xf32, #tpu.memory_space<vmem>>
        tpu.vector_store_idx %parallel_loop3A_574[%broadcast_in_dim3A_121, %parallel_loop3A_556], %parallel_loop3A_568 masked %parallel_loop3A_570 : memref<1x16384xf32, #tpu.memory_space<vmem>>[vector<16xi32>, vector<16xi32>], vector<16xf32>, vector<16xi1>
        %parallel_loop3A_575 = arith.constant 75264 : i32
        %parallel_loop3A_576 = vector.broadcast %parallel_loop3A_575 : i32 to vector<16xi32>
        %parallel_loop3A_577 = arith.subi %parallel_loop3A_552, %parallel_loop3A_576 : vector<16xi32>
        %parallel_loop3A_578 = vector.bitcast %parallel_loop3A_577 : vector<16xi32> to vector<16xi32>
        %parallel_loop3A_579 = vector.broadcast %parallel_loop3A_532 : i32 to vector<16xi32>
        %parallel_loop3A_580 = arith.minui %parallel_loop3A_578, %parallel_loop3A_579 : vector<16xi32>
        %parallel_loop3A_581 = vector.bitcast %parallel_loop3A_580 : vector<16xi32> to vector<16xi32>
        %parallel_loop3A_582 = tpu.vector_load_idx %arg6[%broadcast_in_dim3A_121, %parallel_loop3A_581] : memref<1x24736xf32, #tpu.memory_space<vmem>>[vector<16xi32>, vector<16xi32>], vector<16xf32>,
        %parallel_loop3A_583 = vector.broadcast %parallel_loop3A_533 : i32 to vector<16xi32>
        %parallel_loop3A_584 = arith.cmpi ult, %parallel_loop3A_578, %parallel_loop3A_583 : vector<16xi32>
        %parallel_loop3A_585 = arith.constant 0 : i32
        %parallel_loop3A_586 = arith.constant 0 : i32
        %parallel_loop3A_587 = tpu.memref_slice %arg8[%rem3A_112, %parallel_loop3A_585, %parallel_loop3A_586] : memref<2x1x16384xf32, #tpu.memory_space<vmem>> -> memref<1x1x16384xf32, #tpu.memory_space<vmem>>
        %parallel_loop3A_588 = tpu.memref_squeeze %parallel_loop3A_587 : memref<1x1x16384xf32, #tpu.memory_space<vmem>> -> memref<1x16384xf32, #tpu.memory_space<vmem>>
        tpu.vector_store_idx %parallel_loop3A_588[%broadcast_in_dim3A_121, %parallel_loop3A_556], %parallel_loop3A_582 masked %parallel_loop3A_584 : memref<1x16384xf32, #tpu.memory_space<vmem>>[vector<16xi32>, vector<16xi32>], vector<16xf32>, vector<16xi1>
      } {sc.loop_unroll_factor = 4 : i64, sc.parallel_access}
      %dma_start3A_534 = arith.constant 0 : i32
      %dma_start3A_535 = arith.constant 0 : i32
      %dma_start3A_536 = tpu.memref_slice %arg8[%rem3A_112, %dma_start3A_534, %dma_start3A_535] : memref<2x1x16384xf32, #tpu.memory_space<vmem>> -> memref<1x1x16384xf32, #tpu.memory_space<vmem>>
      %dma_start3A_537 = tpu.memref_squeeze %dma_start3A_536 : memref<1x1x16384xf32, #tpu.memory_space<vmem>> -> memref<1x16384xf32, #tpu.memory_space<vmem>>
      %dma_start3A_538 = arith.constant 0 : i32
      %dma_start3A_539 = tpu.memref_slice %arg4[%add3A_86, %dma_start3A_538] : memref<832x16384xf32, #tpu.memory_space<hbm>> -> memref<1x16384xf32, #tpu.memory_space<hbm>>
      %dma_start3A_540 = arith.constant 0 : i32
      %dma_start3A_541 = tpu.memref_slice %arg4[%add3A_86, %dma_start3A_540] : memref<832x16384xf32, #tpu.memory_space<hbm>> -> memref<1x16384xf32, #tpu.memory_space<hbm>>
      %dma_start3A_542 = arith.constant 0 : i32
      %dma_start3A_543 = arith.constant 0 : i32
      %dma_start3A_544 = tpu.memref_slice %arg8[%rem3A_112, %dma_start3A_542, %dma_start3A_543] : memref<2x1x16384xf32, #tpu.memory_space<vmem>> -> memref<1x1x16384xf32, #tpu.memory_space<vmem>>
      %dma_start3A_545 = tpu.memref_squeeze %dma_start3A_544 : memref<1x1x16384xf32, #tpu.memory_space<vmem>> -> memref<1x16384xf32, #tpu.memory_space<vmem>>
      tpu.enqueue_dma source(%dma_start3A_545 : memref<1x16384xf32, #tpu.memory_space<vmem>>) target(%dma_start3A_541 : memref<1x16384xf32, #tpu.memory_space<hbm>>) target_semaphore(%arg10 : memref<!tpu.dma_semaphore, #tpu.memory_space<semaphore_mem>>)
      scf.yield %select_n3A_110 : i32
    }
    %scan3A_54 = arith.constant 26 : i32
    %add3A_55 = arith.constant 24 : i32
    %add3A_56 = arith.addi %mul3A_2, %add3A_55 : i32
    %dma_wait3A = arith.constant 0 : i32
    %dma_wait3A_57 = arith.constant 0 : i32
    %dma_wait3A_58 = arith.constant 0 : i32
    %dma_wait3A_59 = tpu.memref_slice %arg8[%dma_wait3A, %dma_wait3A_57, %dma_wait3A_58] : memref<2x1x16384xf32, #tpu.memory_space<vmem>> -> memref<1x1x16384xf32, #tpu.memory_space<vmem>>
    %dma_wait3A_60 = tpu.memref_squeeze %dma_wait3A_59 : memref<1x1x16384xf32, #tpu.memory_space<vmem>> -> memref<1x16384xf32, #tpu.memory_space<vmem>>
    %dma_wait3A_61 = arith.constant 0 : i32
    %dma_wait3A_62 = tpu.memref_slice %arg4[%add3A_56, %dma_wait3A_61] : memref<832x16384xf32, #tpu.memory_space<hbm>> -> memref<1x16384xf32, #tpu.memory_space<hbm>>
    %dma_wait3A_63 = arith.constant 0 : i32
    %dma_wait3A_64 = tpu.memref_slice %arg4[%add3A_56, %dma_wait3A_63] : memref<832x16384xf32, #tpu.memory_space<hbm>> -> memref<1x16384xf32, #tpu.memory_space<hbm>>
    %dma_wait3A_65 = arith.constant 0 : i32
    %dma_wait3A_66 = arith.constant 0 : i32
    %dma_wait3A_67 = tpu.memref_slice %arg8[%dma_wait3A, %dma_wait3A_65, %dma_wait3A_66] : memref<2x1x16384xf32, #tpu.memory_space<vmem>> -> memref<1x1x16384xf32, #tpu.memory_space<vmem>>
    %dma_wait3A_68 = tpu.memref_squeeze %dma_wait3A_67 : memref<1x1x16384xf32, #tpu.memory_space<vmem>> -> memref<1x16384xf32, #tpu.memory_space<vmem>>
    tpu.wait_dma2 semaphore(%arg10 : memref<!tpu.dma_semaphore, #tpu.memory_space<semaphore_mem>>) src(%dma_wait3A_68 : memref<1x16384xf32, #tpu.memory_space<vmem>>) dst(%dma_wait3A_64 : memref<1x16384xf32, #tpu.memory_space<hbm>>)
    %add3A_69 = arith.constant 25 : i32
    %add3A_70 = arith.addi %mul3A_2, %add3A_69 : i32
    %dma_wait3A_71 = arith.constant 1 : i32
    %dma_wait3A_72 = arith.constant 0 : i32
    %dma_wait3A_73 = arith.constant 0 : i32
    %dma_wait3A_74 = tpu.memref_slice %arg8[%dma_wait3A_71, %dma_wait3A_72, %dma_wait3A_73] : memref<2x1x16384xf32, #tpu.memory_space<vmem>> -> memref<1x1x16384xf32, #tpu.memory_space<vmem>>
    %dma_wait3A_75 = tpu.memref_squeeze %dma_wait3A_74 : memref<1x1x16384xf32, #tpu.memory_space<vmem>> -> memref<1x16384xf32, #tpu.memory_space<vmem>>
    %dma_wait3A_76 = arith.constant 0 : i32
    %dma_wait3A_77 = tpu.memref_slice %arg4[%add3A_70, %dma_wait3A_76] : memref<832x16384xf32, #tpu.memory_space<hbm>> -> memref<1x16384xf32, #tpu.memory_space<hbm>>
    %dma_wait3A_78 = arith.constant 0 : i32
    %dma_wait3A_79 = tpu.memref_slice %arg4[%add3A_70, %dma_wait3A_78] : memref<832x16384xf32, #tpu.memory_space<hbm>> -> memref<1x16384xf32, #tpu.memory_space<hbm>>
    %dma_wait3A_80 = arith.constant 0 : i32
    %dma_wait3A_81 = arith.constant 0 : i32
    %dma_wait3A_82 = tpu.memref_slice %arg8[%dma_wait3A_71, %dma_wait3A_80, %dma_wait3A_81] : memref<2x1x16384xf32, #tpu.memory_space<vmem>> -> memref<1x1x16384xf32, #tpu.memory_space<vmem>>
    %dma_wait3A_83 = tpu.memref_squeeze %dma_wait3A_82 : memref<1x1x16384xf32, #tpu.memory_space<vmem>> -> memref<1x16384xf32, #tpu.memory_space<vmem>>
    tpu.wait_dma2 semaphore(%arg10 : memref<!tpu.dma_semaphore, #tpu.memory_space<semaphore_mem>>) src(%dma_wait3A_83 : memref<1x16384xf32, #tpu.memory_space<vmem>>) dst(%dma_wait3A_79 : memref<1x16384xf32, #tpu.memory_space<hbm>>)
    return
  }
}

</mosaic_0001>

<sc_bundles>
// kernel: kernel.3.cloned.1.call-start
scs
__scs_entry_jumppad:
0x0: {  	(pc) =	sbr.rel $0x88, $3  }
0x1: {  	(tag) =	ssettag $0x0;
	lr =	simm.s32 $0x1  }
0x2: {  	[smem:$0x3F9F] =	sst lr;
	_ =	strace $0xD0000000  }
0x3: {  	_ = 	snop  }
0x4: {  	_ = 	snop  }
0x5: {  	_ = 	snop  }
0x6: {  	_ = 	snop  }
0x7: {  	_ = 	snop  }
__scs_overlays_trampoline_lowered:
0x8: {  	[smem:$0x3FAE] =	sst s0  }
0x9: {  	[smem:$0x3FAF] =	sst s1  }
0xa: {  	[smem:$0x3FB0] =	sst s2  }
0xb: {  	[smem:$0x3FB1] =	sst s3  }
0xc: {  	[smem:$0x3FB2] =	sst s4  }
0xd: {  	[smem:$0x3FB3] =	sst s5  }
0xe: {  	[smem:$0x3FB4] =	sst s6  }
0xf: {  	[smem:$0x3FB5] =	sst s7  }
0x10: {  	[smem:$0x3FB6] =	sst s8  }
0x11: {  	[smem:$0x3FB7] =	sst s9;
	s0 =	simm.s32 @!p0 $0x0  }
0x12: {  	s1 =	sld [smem:$0x3F9D];
	s0 =	simm.s32 @p0 $0x1  }
0x13: {  	[smem:$0x3FB8] =	sst s0;
	s0 =	simm.s32 @!p1 $0x0  }
0x14: {  	s2 =	sld [smem:$0x3F9C];
	s0 =	simm.s32 @p1 $0x1  }
0x15: {  	[smem:$0x3FB9] =	sst s0;
	s0 =	simm.s32 @!p2 $0x0  }
0x16: {  	s3 =	sld [smem:$0x3FDB];
	s0 =	simm.s32 @p2 $0x1  }
0x17: {  	s4 =	simm.s32 $0x1BF5;
	[smem:$0x3FBB] =	sst s0  }
0x18: {  	s0 =	sld [smem:$0x3F9E];
	_ =	swait.ge [sflag:s4], $0x0  }
0x19: {  	s7 =	sld [smem:$0x3F9F]  }
0x1a: {  	s8 =	sadd.s32 $0xFFFFE003, lr  }
0x1b: {  	s9 =	sadd.s32 $0xFFFFFEF7, lr;
	s5 =	simm.s32 $0xFFFFFFFF;
	p2 =	slt.u32 s8, $0xFFFFF086  }
0x1c: {  	p1 =	slt.u32 s9, $0xF7A;
	s5 =	simm.s32 @!p2 $0x0  }
0x1d: {  	s5 =	simm.s32 @p1 $0x1;
	p0 =	seq.s32 s7, s2  }
0x1e: {  	s7 =	smul.u32 @!p0 $0xF7A, s2;
	p2 =	seq.s32 @!p0 s5, $0x0  }
0x1f: {  	s9 =	smul.u32 $0xF7A, s1;
	s8 =	simm.s32 @!p0 $0x1BF5;
	p2 =	por !p2, p0  }
0x20: {  	[sflag:s8] =	ssyncset.s32 @!p0 $0xFFFFF086;
	s6 =	sadd.s32 @!p0 s3, s7;
	s7 =	simm.s32 @!p0 $0x108  }
0x21: {  	s3 =	sadd.s32 s3, s9;
	s6 =	sadd.s32 @!p0 $0x88, s6;
	s7 =	simm.s32 @p2 $0x1082  }
0x22: {  	[simem:s7], [sflag:s8] =	dma.local @!p0 [hbm:s6], $0xF7A  }
0x23: {  	s9 =	sor.u32 $0xD0000000, s2;
	s6 =	simm.s32 $0x108;
	_ =	swait.ge @!p0 [sflag:s8], $0x0  }
0x24: {  	s3 =	sadd.s32 $0x88, s3;
	s6 =	simm.s32 @!p1 $0x1082;
	[sflag:s4] =	ssyncset.s32 $0xFFFFF086  }
0x25: {  	[simem:s6], [sflag:s4] =	dma.local [hbm:s3], $0xF7A  }
0x26: {  	[smem:$0x3F9F] =	sst s1;
	(tag) =	ssettag s2;
	_ =	strace s9  }
0x27: {  	s1 =	sld [smem:$0x3FAF]  }
0x28: {  	s2 =	sld [smem:$0x3FB0]  }
0x29: {  	s4 =	sld [smem:$0x3FB2]  }
0x2a: {  	p0 =	seq.s32 s5, $0x0;
	s5 =	sld [smem:$0x3FB3]  }
0x2b: {  	s6 =	sld [smem:$0x3FB4]  }
0x2c: {  	s7 =	sld [smem:$0x3FB5]  }
0x2d: {  	s3 =	simm.s32 $0x108;
	s8 =	sld [smem:$0x3FB6]  }
0x2e: {  	s3 =	simm.s32 @!p0 $0x1082;
	s9 =	sld [smem:$0x3FB7]  }
0x2f: {  	lr =	sadd.s32 s0, s3;
	s0 =	sld [smem:$0x3FAE]  }
0x30: {  	s3 =	sld [smem:$0x3FB1]  }
0x31: {  	[smem:$0x3FBA] =	sst s10  }
0x32: {  	s10 =	sld [smem:$0x3FB8];
	_ =	sdelay $0x3  }
0x33: {  	p0 =	seq.s32 s10, $0x1;
	s10 =	sld [smem:$0x3FBA];
	_ =	sdelay $0x3  }
0x34: {  	[smem:$0x3FBA] =	sst s10  }
0x35: {  	s10 =	sld [smem:$0x3FB9];
	_ =	sdelay $0x3  }
0x36: {  	p1 =	seq.s32 s10, $0x1;
	s10 =	sld [smem:$0x3FBA];
	_ =	sdelay $0x3  }
0x37: {  	[smem:$0x3FBA] =	sst s10  }
0x38: {  	s10 =	sld [smem:$0x3FBB]  }
0x39: {  	_ = 	snop;
	(pc) =	sbr.ind lr, $3  }
0x3a: {  	_ = 	snop  }
0x3b: {  	_ = 	snop  }
0x3c: {  	p2 =	seq.s32 s10, $0x1;
	s10 =	sld [smem:$0x3FBA]  }
0x3d: {  	_ =	shalt  }
0x3e: {  	_ =	shalt  }
0x3f: {  	_ =	shalt  }
0x40: {  	_ =	shalt  }
0x41: {  	_ =	shalt  }
0x42: {  	_ =	shalt  }
0x43: {  	_ =	shalt  }
0x44: {  	_ =	shalt  }
0x45: {  	_ =	shalt  }
0x46: {  	_ =	shalt  }
0x47: {  	_ =	shalt  }
0x48: {  	_ =	shalt  }
0x49: {  	_ =	shalt  }
0x4a: {  	_ =	shalt  }
0x4b: {  	_ =	shalt  }
0x4c: {  	_ =	shalt  }
0x4d: {  	_ =	shalt  }
0x4e: {  	_ =	shalt  }
0x4f: {  	_ =	shalt  }
0x50: {  	_ =	shalt  }
0x51: {  	_ =	shalt  }
0x52: {  	_ =	shalt  }
0x53: {  	_ =	shalt  }
0x54: {  	_ =	shalt  }
0x55: {  	_ =	shalt  }
0x56: {  	_ =	shalt  }
0x57: {  	_ =	shalt  }
0x58: {  	_ =	shalt  }
0x59: {  	_ =	shalt  }
0x5a: {  	_ =	shalt  }
0x5b: {  	_ =	shalt  }
0x5c: {  	_ =	shalt  }
0x5d: {  	_ =	shalt  }
0x5e: {  	_ =	shalt  }
0x5f: {  	_ =	shalt  }
0x60: {  	_ =	shalt  }
0x61: {  	_ =	shalt  }
0x62: {  	_ =	shalt  }
0x63: {  	_ =	shalt  }
0x64: {  	_ =	shalt  }
0x65: {  	_ =	shalt  }
0x66: {  	_ =	shalt  }
0x67: {  	_ =	shalt  }
0x68: {  	_ =	shalt  }
0x69: {  	_ =	shalt  }
0x6a: {  	_ =	shalt  }
0x6b: {  	_ =	shalt  }
0x6c: {  	_ =	shalt  }
0x6d: {  	_ =	shalt  }
0x6e: {  	_ =	shalt  }
0x6f: {  	_ =	shalt  }
0x70: {  	_ =	shalt  }
0x71: {  	_ =	shalt  }
0x72: {  	_ =	shalt  }
0x73: {  	_ =	shalt  }
0x74: {  	_ =	shalt  }
0x75: {  	_ =	shalt  }
0x76: {  	_ =	shalt  }
0x77: {  	_ =	shalt  }
0x78: {  	_ =	shalt  }
0x79: {  	_ =	shalt  }
0x7a: {  	_ =	shalt  }
0x7b: {  	_ =	shalt  }
0x7c: {  	_ =	shalt  }
0x7d: {  	_ =	shalt  }
0x7e: {  	_ =	shalt  }
0x7f: {  	_ =	shalt  }
0x80: {  	_ =	shalt  }
0x81: {  	_ =	shalt  }
0x82: {  	_ =	shalt  }
0x83: {  	_ =	shalt  }
0x84: {  	_ =	shalt  }
0x85: {  	_ =	shalt  }
0x86: {  	_ =	shalt  }
0x87: {  	_ =	shalt  }
.Lfunc_end0:
.L_simem_size_0:
called_computation_lowered:
.L_overlay_start_0:
0x88: {  	s2 =	sld [smem:$0x3FD9]  }
0x89: {  	s3 =	sld [smem:$0x3FFE];
	_ =	sdelay $0x1  }
0x8a: {  	s1 =	srdreg.scid  }
0x8b: {  	s0 =	sand.u32 $0x1, s1  }
0x8c: {  	s18 =	sshll.u32 s0, $0xA;
	s2 =	sadd.s32 s3, s2  }
0x8d: {  	s2 =	sadd.s32 s2, s18  }
0x8e: {  	[smem:$0x3FC6] =	sst s2  }
0x8f: {  	_ = 	snop  }
0x90: {  	s2 =	sld [smem:$0x3FC9]  }
0x91: {  	s19 =	sld [smem:$0x3FC8]  }
0x92: {  	s4 =	sld [smem:$0x3FD0];
	(tm) =	ssettm $0x1  }
0x93: {  	s5 =	sld [smem:$0x3FFB];
	_ =	sdelay $0x3  }
0x94: {  	_ =	strace s5  }
0x95: {  	s5 =	sld [smem:$0x3FFC];
	_ =	sdelay $0x3  }
0x96: {  	_ =	strace s5  }
0x97: {  	s5 =	sld [smem:$0x3FFD];
	_ =	sdelay $0x3  }
0x98: {  	_ =	strace s5  }
0x99: {  	_ =	strace $0x8FFFFFFF  }
0x9a: {  	s20 =	sld [smem:$0x3FDB];
	_ =	sdelay $0x1  }
0x9b: {  	s6 =	simm.s32 $_scs_section_size  }
0x9c: {  	s7 =	simm.s32 $_size__tile_overlayer_lowered;
	s8 =	simm.s32 $_tile_overlayer_lowered  }
0x9d: {  	s23 =	simm.s32 $0x1BFF;
	s22 =	sshll.u32 s8, $0x1;
	s5 =	sadd.s32 s6, s20  }
0x9e: {  	s9 =	simm.s32 $0x0;
	s21 =	sshll.u32 s7, $0x1;
	s7 =	sadd.s32 s22, s5  }
0x9f: {  	[timem:s9], [sflag:s23] =	dma.local [hbm:s7], s21  }
0xa0: {  	_ =	swait.ge [sflag:s23], s21  }
0xa1: {  	s6 =	ssub.s32 $0x0, s21;
	[sflag:s23] =	ssyncset.done $0x0  }
0xa2: {  	[sflag:s23] =	ssyncadd.s32 s6;
	_ =	sdelay $0x1  }
0xa3: {  	s24 =	simm.s32 $0x1B8B  }
0xa4: {  	_ =	swait.ge [sflag:s24], $0x1  }
0xa5: {  	[sflag:s24] =	ssyncset.done $0x0  }
0xa6: {  	s25 =	simm.s32 $0x1B8E;
	[sflag:s24] =	ssyncadd.s32 $0xFFFFFFFF  }
0xa7: {  	s26 =	simm.s32 $execute0_lowered;
	[smem:$0x3FD2] =	sst s25  }
0xa8: {  	s6 =	sshll.u32 s26, $0x1;
	_ =	strace $0x80000046;
	[dreg:$0x1] =	wrdreg $0xFFFFFFFF  }
0xa9: {  	s28 =	simm.s32 $_size_execute0_lowered;
	s5 =	sadd.s32 s5, s6;
	[dreg:$0x0] =	wrdreg $0x0  }
0xaa: {  	s6 =	sshll.u32 s28, $0x1;
	[dreg:$0x2] =	wrdreg s5  }
0xab: {  	[dreg:$0x3] =	wrdreg s6  }
0xac: {  	[dreg:$0x4] =	wrdreg $0xC0  }
0xad: {  	_ =	task [dreg:s9], $0x5FFFF  }
0xae: {  	[dreg:$0x1] =	wrdreg $0xFFFFFFFF  }
0xaf: {  	[dreg:$0x0] =	wrdreg $0x60  }
0xb0: {  	[dreg:$0x2] =	wrdreg s19  }
0xb1: {  	[dreg:$0x3] =	wrdreg s2  }
0xb2: {  	[dreg:$0x4] =	wrdreg s4  }
0xb3: {  	[dreg:$0x5] =	wrdreg $0x9  }
0xb4: {  	_ =	task.clear_ibuf [dreg:s9], $0x6FFFF;
	_ =	strace $0x90000046  }
0xb5: {  	s29 =	simm.s32 $0x9;
	_ =	strace $0x80000048  }
0xb6: {  	_ =	swait.ge [sflag:s29], $0x1  }
0xb7: {  	[sflag:s29] =	ssyncadd.s32 $0xFFFFFFFF  }
0xb8: {  	_ =	strace $0x90000048  }
0xb9: {  	_ =	sfence  }
0xba: {  	s30 =	sld [smem:$0x0];
	_ =	sdelay $0x2  }
0xbb: {  	s31 =	sshll.u32 s1, $0xD;
	s1 =	sshrl.u32 s1, $0x2  }
0xbc: {  	s3 =	sand.u32 $0x4000, s31;
	s1 =	sadd.s32 s1, s30  }
0xbd: {  	s0 =	sor.u32 s3, s0;
	s1 =	sshll.u32 s1, $0x11  }
0xbe: {  	s0 =	sor.u32 s1, s0  }
0xbf: {  	s0 =	sadd.s32 $0x8F2B, s0  }
0xc0: {  	[sflag:s0] =	ssyncadd.remote.s32 $0x1  }
0xc1: {  	_ =	sfence.sel $0xFFFF  }
0xc2: {  	[dreg:$0x0] =	wrdreg $0xFFFFFFFF;
	(pc) =	sbr.abs _section_cstart, $3  }
0xc3: {  	[dreg:$0x1] =	wrdreg $0xFFFFFFFF  }
0xc4: {  	_ =	task.clear_ibuf [dreg:s9], $0x2FFFF;
	_ =	strace $0x9FFFFFFF  }
0xc5: {  	(tm) =	ssettm $0x7FFFFFFF  }
tec
execute0_lowered:
.L_overlay_start_1:
0x0: {  	(tag) =	ssettag $0x1  }
0x1: {  	s1 =	srdreg.scid;
	s0 =	stileid.u32  }
0x2: {  	s7 =	sand.u32 $0x1, s1;
	s29 =	sshll.u32 s0, $0x1  }
0x3: {  	s2 =	rddreg [dreg:$0x0];
	s1 =	sor.u32 s7, s29  }
0x4: {  	s5 =	rddreg [dreg:$0x2];
	s10 =	simm.s32 $0x400;
	s1 =	smul.u32 $0x1A, s1  }
0x5: {  	s11 =	simm.s32 $0x1;
	s12 =	simm.s32 $0x12500;
	s13 =	simm.s32 $0x3  }
0x6: {  	s14 =	simm.s32 $0xC400;
	s3 =	sshrl.u32 s1, $0x5;
	s4 =	sand.u32 $0x18, s1  }
0x7: {  	s15 =	simm.s32 $0x2;
	s6 =	smul.u32 $0x30E000, s3;
	s30 =	sshrl.u32 s4, $0x3  }
0x8: {  	s16 =	simm.s32 $0x0;
	s4 =	rddreg [dreg:$0x1];
	s8 =	smul.u32 $0xC3800, s30  }
0x9: {  	s7 =	ssub.s32 $0x2, s7;
	s9 =	sshll.u32 s1, $0x7;
	s3 =	rddreg [dreg:$0x3]  }
0xa: {  	s9 =	sand.u32 $0x300, s9;
	s8 =	sadd.s32 s6, s8;
	s6 =	simm.s32 $0x0  }
0xb: {  	s31 =	sshrl.u32 s7, $0x1;
	s8 =	sor.u32 s9, s8;
	[smem:$0x7FF] =	sst s6  }
0xc: {  	s9 =	ssub.s32 s7, s31;
	s8 =	sshrl.u32 s8, $0x3;
	_ =	strace $0x80000047  }
0xd: {  	v0 =	vlaneseq.u32;
	s7 =	sadd.s32 s2, s8;
	s8 =	smax.u32 s9, $0x1;
	s9 =	simm.s32 $0x80  }
.LBB2_1:
0xe: {  	[tilespmem:s6], [sflag:$0x1] =	stream.strided.gather [hbm4b:s7+s9], $0x6200, s10, s9, $0x38;
	[tilespmem:$0x1E500] =	vst v63  }
0xf: {  	s17 =	simm.s32 $0xFFFFFFFF;
	p0 =	por $0x0, $0x0;
	s22 =	simm.s32 $0x0  }
.LBB2_2:
0x10: {  	s18 =	sadd.s32 s1, s22  }
0x11: {  	s19 =	smov.u32 s17;
	p1 =	seq.s32 s22, $0x0;
	s17 =	sshrl.u32 s18, $0x5  }
0x12: {  	p2 =	seq.s32 @!p1 s17, s19  }
0x13: {  	p1 =	por p1, !p2  }
0x14: {  	s19 =	sshll.u32 @p1 s17, $0x4  }
0x15: {  	s20 =	sshll.u32 @p1 s17, $0xB;
	s19 =	sand.u32 @p1 $0x70, s19  }
0x16: {  	s20 =	sand.u32 @p1 $0xFFFC000, s20;
	s19 =	sadd.s32 @p1 s4, s19  }
0x17: {  	s26 =	sshrl.u32 s18, $0x3;
	s19 =	sadd.s32 @p1 s20, s19  }
0x18: {  	[tilespmem:s12], [sflag:$0x3] =	stream.strided.gather @p1 [hbm4b:s19+s9], $0x4000, s10, s9, $0x38;
	[tilespmem:$0x1E500] =	vst v63  }
0x19: {  	s31 =	smul.u32 $0x30E000, s17;
	s19 =	sand.u32 $0x3, s26  }
0x1a: {  	s21 =	sshll.u32 s18, $0x7;
	_ =	swait.ge @p1 [sflag:s13], $0x4000;
	s19 =	smul.u32 $0xC3800, s19  }
0x1b: {  	s25 =	sand.u32 $0x380, s21;
	[sflag:s13] =	ssyncset.done @p1 $0x0  }
0x1c: {  	[sflag:s13] =	ssyncadd.s32 @p1 $0xFFFFC000;
	p1 =	slt.u32 s22, $0x2;
	s24 =	sadd.s32 s31, s19  }
0x1d: {  	s19 =	sadd.s32 $0x1, s22;
	s26 =	simm.s32 @!p1 $0x2;
	s20 =	sor.u32 s25, s24  }
0x1e: {  	s23 =	sand.u32 $0x1, s19;
	_ =	swait.ge @!p1 [sflag:s26], $0x4000;
	s28 =	sadd.s32 $0x31000, s20  }
0x1f: {  	p2 =	seq.s32 s23, $0x1;
	s23 =	simm.s32 $0x6200;
	s20 =	sadd.s32 $0x93000, s20  }
0x20: {  	[sflag:s26] =	ssyncset.done @!p1 $0x0;
	s31 =	sshrl.u32 s28, $0x3;
	s23 =	simm.s32 @!p2 $0x0  }
0x21: {  	s20 =	sshrl.u32 s20, $0x3;
	[sflag:s26] =	ssyncadd.s32 @!p1 $0xFFFFC000;
	s21 =	sadd.s32 s2, s31  }
0x22: {  	[tilespmem:s23], [sflag:$0x1] =	stream.strided.gather [hbm4b:s21+s9], $0x6200, s10, s9, $0x38;
	[tilespmem:$0x1E500] =	vst v63  }
0x23: {  	s20 =	sadd.s32 s2, s20  }
0x24: {  	[tilespmem:s14], [sflag:$0x1] =	stream.strided.gather [hbm4b:s20+s9], $0x6100, s10, s9, $0x38;
	[tilespmem:$0x1E500] =	vst v63  }
0x25: {  	_ =	swait.ge [sflag:s11], $0x6200  }
0x26: {  	[sflag:s11] =	ssyncset.done $0x0  }
0x27: {  	s31 =	simm.s32 $0x12520;
	[sflag:s11] =	ssyncadd.s32 $0xFFFF9E00  }
0x28: {  	v1 =	vld [tilespmem:s31+$0x10];
	_ =	sdelay $0x1  }
0x29: {  	v2 =	vld [tilespmem:s31+$0xFFFFFFF0]  }
0x2a: {  	v3 =	vld [tilespmem:s31+$0xFFFFFFE0]  }
0x2b: {  	v4 =	vld [tilespmem:s31+$0x0]  }
0x2c: {  	v1 =	vmin.u32 v1, $0x61FF  }
0x2d: {  	s28 =	simm.s32 $0x12560;
	s26 =	sand.u32 $0x1, s22  }
0x2e: {  	s21 =	smul.u32 $0x18800, s26;
	v6 =	vld [tilespmem:s28+$0x10];
	v2 =	vmin.u32 v2, $0x61FF  }
0x2f: {  	v7 =	vld [tilespmem:s28+$0xFFFFFFF0];
	v3 =	vmin.u32 v3, $0x61FF  }
0x30: {  	s21 =	sshrl.u32 s21, $0x2;
	v9 =	vmin.u32 v4, $0x61FF;
	v4 =	vld [tilespmem:s28+$0x0]  }
0x31: {  	v1 =	vld.idx.msk [tilespmem:v1+s21+$0x0], $0xffff  }
0x32: {  	s20 =	simm.s32 $0x1;
	v5 =	vld [tilespmem:s28+$0xFFFFFFE0]  }
0x33: {  	s20 =	simm.s32 @!p0 $0x0;
	v8 =	vmin.u32 v6, $0x61FF;
	v2 =	vld.idx.msk [tilespmem:v2+s21+$0x0], $0xffff  }
0x34: {  	s29 =	simm.s32 $0x4;
	s20 =	sshll.u32 s20, $0xE;
	s31 =	sshll.u32 s26, $0xE;
	v3 =	vld.idx.msk [tilespmem:v3+s21+$0x0], $0xffff  }
0x35: {  	s30 =	simm.s32 $0x125A0;
	s28 =	sadd.s32 $0x16520, s20;
	s20 =	sadd.s32 $0x16500, s31;
	v6 =	vmin.u32 v7, $0x61FF;
	v7 =	vld.idx.msk [tilespmem:v9+s21+$0x0], $0xffff  }
.LBB2_3:
0x36: {  	v9 =	vld [tilespmem:s30+$0x10];
	s29 =	sadd.s32 $0x4, s29;
	v10 =	vmin.u32 v4, $0x61FF;
	[tilespmem:s28+$0x10] =	vst v1  }
0x37: {  	v11 =	vld [tilespmem:s30+$0xFFFFFFF0];
	p1 =	slt.u32 s29, $0x3FC;
	v12 =	vmin.u32 v5, $0x61FF  }
0x38: {  	v1 =	vld.idx.msk [tilespmem:v8+s21+$0x0], $0xffff  }
.Ltmp0:
0x39: {  	v4 =	vld [tilespmem:s30+$0x0];
	[tilespmem:s28+$0xFFFFFFF0] =	vst v2;
	(pc) =	sbr.rel @p1 .LBB2_3-.Ltmp0, $4  }
0x3a: {  	v5 =	vld [tilespmem:s30+$0xFFFFFFE0];
	[tilespmem:s28+$0xFFFFFFE0] =	vst v3  }
0x3b: {  	v8 =	vmin.u32 v9, $0x61FF;
	v2 =	vld.idx.msk [tilespmem:v6+s21+$0x0], $0xffff;
	[tilespmem:s28+$0x0] =	vst v7  }
0x3c: {  	v6 =	vmin.u32 v11, $0x61FF;
	v3 =	vld.idx.msk [tilespmem:v12+s21+$0x0], $0xffff  }
0x3d: {  	s30 =	sadd.s32 $0x40, s30;
	s28 =	sadd.s32 $0x40, s28;
	v7 =	vld.idx.msk [tilespmem:v10+s21+$0x0], $0xffff  }
0x3e: {  	_ = 	snop  }
0x3f: {  	v4 =	vmin.u32 v4, $0x61FF  }
0x40: {  	v5 =	vmin.u32 v5, $0x61FF;
	_ =	sdelay $0x1  }
0x41: {  	v8 =	vld.idx.msk [tilespmem:v8+s21+$0x0], $0xffff  }
0x42: {  	[tilespmem:s28+$0x10] =	vst v1;
	v1 =	vld.idx.msk [tilespmem:v6+s21+$0x0], $0xffff  }
0x43: {  	[tilespmem:s28+$0xFFFFFFE0] =	vst v3;
	v3 =	vld.idx.msk [tilespmem:v4+s21+$0x0], $0xffff  }
0x44: {  	[tilespmem:s28+$0xFFFFFFF0] =	vst v2;
	v2 =	vld.idx.msk [tilespmem:v5+s21+$0x0], $0xffff  }
0x45: {  	s31 =	sadd.s32 $0x40, s28;
	[tilespmem:s28+$0x0] =	vst v7  }
0x46: {  	s24 =	sadd.s32 s25, s24;
	[tilespmem:s31+$0x10] =	vst v8  }
0x47: {  	s24 =	sadd.s32 $0x62000, s24;
	[tilespmem:s31+$0xFFFFFFF0] =	vst v1  }
0x48: {  	p1 =	seq.s32 s26, $0x1;
	s25 =	simm.s32 $0x6200;
	s24 =	sshrl.u32 s24, $0x3;
	[tilespmem:s31+$0x0] =	vst v3  }
0x49: {  	s25 =	simm.s32 @!p1 $0x0;
	s24 =	sadd.s32 s2, s24;
	[tilespmem:s31+$0xFFFFFFE0] =	vst v2  }
0x4a: {  	[tilespmem:s25], [sflag:$0x1] =	stream.strided.gather [hbm4b:s24+s9], $0x6200, s10, s9, $0x38;
	[tilespmem:$0x1E500] =	vst v63  }
0x4b: {  	_ =	swait.ge [sflag:s11], $0x6200  }
0x4c: {  	[sflag:s11] =	ssyncset.done $0x0  }
0x4d: {  	s25 =	simm.s32 $0x12520;
	[sflag:s11] =	ssyncadd.s32 $0xFFFF9E00  }
0x4e: {  	v1 =	vld [tilespmem:s25+$0x10]  }
0x4f: {  	v2 =	vld [tilespmem:s25+$0xFFFFFFF0]  }
0x50: {  	v3 =	vld [tilespmem:s25+$0x0]  }
0x51: {  	s26 =	simm.s32 $0x12560;
	v4 =	vld [tilespmem:s25+$0xFFFFFFE0]  }
0x52: {  	v13 =	vld [tilespmem:s26+$0x0]  }
0x53: {  	v5 =	vadd.s32 $0xFFFF9E00, v1  }
0x54: {  	v1 =	vadd.s32 $0xFFFF9E00, v2;
	v6 =	vmin.u32 v5, $0x61FF  }
0x55: {  	v2 =	vadd.s32 $0xFFFF9E00, v3;
	v3 =	vld [tilespmem:s26+$0x10];
	v7 =	vmin.u32 v1, $0x61FF  }
0x56: {  	s29 =	simm.s32 $0x30;
	v12 =	vld [tilespmem:s26+$0xFFFFFFF0];
	v4 =	vadd.s32 $0xFFFF9E00, v4;
	v10 =	vmin.u32 v2, $0x61FF  }
0x57: {  	v9 =	vor.u32 s29, v0;
	v13 =	vadd.s32 $0xFFFF9E00, v13;
	v14 =	vmin.u32 v4, $0x61FF  }
0x58: {  	s30 =	simm.s32 $0x10;
	s24 =	simm.s32 $0x0;
	v11 =	vld [tilespmem:s26+$0xFFFFFFE0];
	vm1 =	vlt.u32 v1, $0x6200;
	vm4 =	vlt.u32 v2, $0x6200;
	vm3 =	vlt.u32 v5, $0x6200  }
0x59: {  	s31 =	simm.s32 $0x20;
	vm0 =	vlt.u32 v4, $0x6200;
	v1 =	vor.u32 s24, v0;
	v4 =	vor.u32 s30, v0;
	v6 =	vld.idx.msk [tilespmem:v6+s23+$0x0], $0xffff  }
0x5a: {  	v2 =	vor.u32 s31, v0;
	vm2 =	vmmov vm1;
	v8 =	vadd.s32 $0xFFFF9E00, v3;
	v5 =	vld.idx.msk [tilespmem:v7+s23+$0x0], $0xffff  }
0x5b: {  	vm0 =	vmmov vm0;
	v7 =	vadd.s32 $0xFFFF9E00, v12;
	v12 =	vmin.u32 v8, $0x61FF;
	v3 =	vld.idx.msk [tilespmem:v10+s23+$0x0], $0xffff  }
0x5c: {  	s25 =	simm.s32 $0x4;
	s26 =	simm.s32 $0x125A0;
	vm1 =	vmmov vm4;
	v10 =	vmin.u32 v7, $0x61FF;
	vm4 =	vlt.u32 v7, $0x6200;
	v7 =	vld.idx.msk [tilespmem:v14+s23+$0x0], $0xffff  }
.LBB2_5:
0x5d: {  	v14 =	vld [tilespmem:s26+$0x10];
	s25 =	sadd.s32 $0x4, s25;
	v15 =	vmin.u32 v13, $0x61FF;
	vm5 =	vlt.u32 v13, $0x6200  }
0x5e: {  	s24 =	sadd.s32 $0x40, s24;
	v13 =	vld [tilespmem:s26+$0xFFFFFFF0];
	p1 =	slt.u32 s25, $0x3FC;
	v11 =	vadd.s32 $0xFFFF9E00, v11;
	[tilespmem:v9+s20+$0x0] =	vst.idx.msk vm3, v6  }
0x5f: {  	s28 =	sadd.s32 $0x10, s24;
	v16 =	vld [tilespmem:s26+$0x0];
	v17 =	vmin.u32 v11, $0x61FF;
	vm6 =	vlt.u32 v11, $0x6200  }
.Ltmp1:
0x60: {  	v18 =	vor.u32 s24, v0;
	s29 =	sadd.s32 $0x20, s24;
	s30 =	sadd.s32 $0x30, s24;
	vm3 =	vlt.u32 v8, $0x6200;
	v6 =	vld.idx.msk [tilespmem:v12+s23+$0x0], $0xffff;
	[tilespmem:v4+s20+$0x0] =	vst.idx.msk vm2, v5;
	(pc) =	sbr.rel @p1 .LBB2_5-.Ltmp1, $4  }
0x61: {  	v19 =	vor.u32 s29, v0;
	v9 =	vor.u32 s30, v0;
	v4 =	vor.u32 s28, v0;
	v11 =	vld [tilespmem:s26+$0xFFFFFFE0]  }
0x62: {  	vm2 =	vmmov vm4;
	v8 =	vadd.s32 $0xFFFF9E00, v14;
	v5 =	vld.idx.msk [tilespmem:v10+s23+$0x0], $0xffff;
	[tilespmem:v1+s20+$0x0] =	vst.idx.msk vm0, v7;
	v1 =	vmovc v18;
	vm0 =	vmmov vm6  }
0x63: {  	v7 =	vadd.s32 $0xFFFF9E00, v13;
	v12 =	vmin.u32 v8, $0x61FF;
	[tilespmem:v2+s20+$0x0] =	vst.idx.msk vm1, v3;
	v3 =	vld.idx.msk [tilespmem:v15+s23+$0x0], $0xffff;
	v2 =	vmovc v19;
	vm1 =	vmmov vm5  }
0x64: {  	s26 =	sadd.s32 $0x40, s26;
	v10 =	vmin.u32 v7, $0x61FF;
	vm4 =	vlt.u32 v7, $0x6200;
	v13 =	vadd.s32 $0xFFFF9E00, v16;
	v7 =	vld.idx.msk [tilespmem:v17+s23+$0x0], $0xffff  }
0x65: {  	_ =	sdelay $0x1  }
0x66: {  	v15 =	vmin.u32 v13, $0x61FF;
	v11 =	vadd.s32 $0xFFFF9E00, v11  }
0x67: {  	s24 =	sadd.s32 $0x40, s24;
	v14 =	vmin.u32 v11, $0x61FF  }
0x68: {  	vm5 =	vlt.u32 v8, $0x6200;
	p1 =	seq.s32 s22, $0x19;
	s25 =	sadd.s32 $0x30, s24  }
0x69: {  	v8 =	vld.idx.msk [tilespmem:v12+s23+$0x0], $0xffff;
	vm4 =	vmmov vm4;
	[tilespmem:v9+s20+$0x0] =	vst.idx.msk vm3, v6;
	s29 =	sadd.s32 $0x10, s24;
	vm6 =	vlt.u32 v11, $0x6200;
	v11 =	vor.u32 s25, v0;
	s25 =	sadd.s32 @!p1 $0x1, s18  }
0x6a: {  	vm3 =	vlt.u32 v13, $0x6200;
	v9 =	vld.idx.msk [tilespmem:v10+s23+$0x0], $0xffff;
	v10 =	vor.u32 s24, v0;
	s24 =	sadd.s32 $0x20, s24;
	v6 =	vor.u32 s29, v0;
	[tilespmem:v4+s20+$0x0] =	vst.idx.msk vm2, v5;
	s22 =	sshrl.u32 @!p1 s25, $0x5;
	s26 =	sshrl.u32 @!p1 s25, $0x3  }
0x6b: {  	v5 =	vor.u32 s24, v0;
	vm6 =	vmmov vm6;
	s22 =	smul.u32 @!p1 $0x30E000, s22;
	s26 =	sand.u32 @!p1 $0x3, s26;
	[tilespmem:v1+s20+$0x0] =	vst.idx.msk vm0, v7;
	v1 =	vld.idx.msk [tilespmem:v15+s23+$0x0], $0xffff  }
0x6c: {  	s24 =	smul.u32 @!p1 $0xC3800, s26;
	v4 =	vld.idx.msk [tilespmem:v14+s23+$0x0], $0xffff  }
0x6d: {  	[tilespmem:v2+s20+$0x0] =	vst.idx.msk vm1, v3;
	s25 =	sshll.u32 @!p1 s25, $0x7  }
0x6e: {  	[tilespmem:v11+s20+$0x0] =	vst.idx.msk vm5, v8;
	s22 =	sadd.s32 @!p1 s22, s24;
	s24 =	sand.u32 @!p1 $0x380, s25  }
0x6f: {  	[tilespmem:v6+s20+$0x0] =	vst.idx.msk vm4, v9;
	s22 =	sor.u32 @!p1 s24, s22  }
0x70: {  	s22 =	sshrl.u32 @!p1 s22, $0x3;
	[tilespmem:v5+s20+$0x0] =	vst.idx.msk vm3, v1  }
0x71: {  	s25 =	simm.s32 @!p1 $0x400;
	s24 =	simm.s32 @!p1 $0x80;
	s22 =	sadd.s32 @!p1 s2, s22;
	[tilespmem:v10+s20+$0x0] =	vst.idx.msk vm6, v4  }
0x72: {  	[tilespmem:s23], [sflag:$0x1] =	stream.strided.gather @!p1 [hbm4b:s22+s24], $0x6200, s25, s24, $0x38;
	[tilespmem:$0x1E500] =	vst v63  }
0x73: {  	_ =	swait.ge [sflag:s11], $0x6100  }
0x74: {  	[sflag:s11] =	ssyncset.done $0x0  }
0x75: {  	[sflag:s11] =	ssyncadd.s32 $0xFFFF9F00  }
0x76: {  	_ =	swait.ge [sflag:s11], $0x6200  }
0x77: {  	[sflag:s11] =	ssyncset.done $0x0  }
0x78: {  	s30 =	simm.s32 $0x12520;
	[sflag:s11] =	ssyncadd.s32 $0xFFFF9E00  }
0x79: {  	v1 =	vld [tilespmem:s30+$0x0]  }
0x7a: {  	v2 =	vld [tilespmem:s30+$0xFFFFFFE0]  }
0x7b: {  	v3 =	vld [tilespmem:s30+$0x10]  }
0x7c: {  	v4 =	vld [tilespmem:s30+$0xFFFFFFF0];
	_ =	sdelay $0x1  }
0x7d: {  	v5 =	vadd.s32 $0xFFFF3C00, v1  }
0x7e: {  	s31 =	simm.s32 $0x12560;
	v6 =	vadd.s32 $0xFFFF3C00, v2;
	v7 =	vmin.u32 v5, $0x61FF  }
0x7f: {  	v11 =	vld [tilespmem:s31+$0x0];
	v9 =	vadd.s32 $0xFFFF3C00, v3;
	v8 =	vmin.u32 v6, $0x61FF  }
0x80: {  	v13 =	vld [tilespmem:s31+$0xFFFFFFE0];
	v12 =	vadd.s32 $0xFFFF3C00, v4;
	v10 =	vmin.u32 v9, $0x61FF  }
0x81: {  	s26 =	simm.s32 $0x0;
	v17 =	vld [tilespmem:s31+$0x10];
	v14 =	vmin.u32 v12, $0x61FF  }
0x82: {  	vm2 =	vmmov vm3;
	v20 =	vor.u32 s26, v0;
	s25 =	simm.s32 $0x20;
	v18 =	vld [tilespmem:s31+$0xFFFFFFF0];
	vm0 =	vlt.u32 v5, $0x6200  }
0x83: {  	v19 =	vor.u32 s25, v0;
	v15 =	vadd.s32 $0xFFFEDA00, v1;
	vm1 =	vlt.u32 v6, $0x6200;
	v16 =	vld.idx.msk [tilespmem:v7+s21+$0x0], $0xffff  }
0x84: {  	s28 =	simm.s32 $0x30;
	v21 =	vadd.s32 $0xFFFF3C00, v11;
	v6 =	vmin.u32 v15, $0x609F;
	vm2 =	vlt.u32 v9, $0x6200;
	v5 =	vld.idx.msk [tilespmem:v8+s21+$0x0], $0xffff  }
0x85: {  	v22 =	vor.u32 s28, v0;
	v2 =	vadd.s32 $0xFFFEDA00, v2;
	v24 =	vmin.u32 v21, $0x61FF;
	v8 =	vld.idx.msk [tilespmem:v10+s21+$0x0], $0xffff  }
0x86: {  	s29 =	simm.s32 $0x10;
	s22 =	simm.s32 $0x125A0;
	v3 =	vadd.s32 $0xFFFEDA00, v3;
	v9 =	vmin.u32 v2, $0x609F;
	vm3 =	vlt.u32 v12, $0x6200;
	v10 =	vld.idx.msk [tilespmem:v14+s21+$0x0], $0xffff  }
0x87: {  	v4 =	vadd.s32 $0xFFFEDA00, v4;
	v1 =	vor.u32 s29, v0;
	v12 =	vmin.u32 v3, $0x609F;
	v7 =	vld [tilespmem:s22+$0x0]  }
0x88: {  	v23 =	vmin.u32 v4, $0x609F;
	v14 =	vld [tilespmem:s22+$0xFFFFFFE0];
	[tilespmem:v19+s20+$0x0] =	vst.idx.msk vm0, v16;
	v16 =	vadd.s32 $0xFFFF3C00, v13  }
0x89: {  	[tilespmem:v20+s20+$0x0] =	vst.idx.msk vm1, v5;
	vm1 =	vlt.u32 v15, $0x60A0;
	v15 =	vadd.s32 $0xFFFF3C00, v17;
	v25 =	vld.idx.msk [tilespmem:v6+s14+$0x0], $0xffff;
	v6 =	vmin.u32 v16, $0x61FF  }
0x8a: {  	[tilespmem:v22+s20+$0x0] =	vst.idx.msk vm2, v8;
	vm2 =	vlt.u32 v2, $0x60A0;
	v8 =	vadd.s32 $0xFFFEDA00, v17;
	v17 =	vld.idx.msk [tilespmem:v24+s21+$0x0], $0xffff;
	v27 =	vmin.u32 v15, $0x61FF  }
0x8b: {  	v29 =	vadd.s32 $0xFFFF3C00, v18;
	vm5 =	vlt.u32 v3, $0x60A0;
	v26 =	vld.idx.msk [tilespmem:v9+s14+$0x0], $0xffff  }
0x8c: {  	v30 =	vmin.u32 v29, $0x61FF;
	[tilespmem:v1+s20+$0x0] =	vst.idx.msk vm3, v10;
	vm0 =	vlt.u32 v4, $0x60A0;
	v28 =	vld.idx.msk [tilespmem:v12+s14+$0x0], $0xffff  }
0x8d: {  	s23 =	simm.s32 $0x40;
	s30 =	simm.s32 $0x60;
	vm4 =	vlt.u32 v21, $0x6200;
	v10 =	vadd.s32 $0xFFFEDA00, v11;
	v2 =	vadd.s32 $0xFFFEDA00, v18;
	v12 =	vld.idx.msk [tilespmem:v23+s14+$0x0], $0xffff  }
0x8e: {  	v4 =	vor.u32 s23, v0;
	vm3 =	vlt.u32 v16, $0x6200;
	v18 =	vld.idx.msk [tilespmem:v6+s21+$0x0], $0xffff;
	v6 =	vor.u32 s30, v0  }
0x8f: {  	s31 =	simm.s32 $0x70;
	v9 =	vadd.s32 $0xFFFEDA00, v13;
	[tilespmem:v19+s20+$0x0] =	vst.idx.msk vm1, v25;
	v19 =	vmin.u32 v10, $0x609F;
	v13 =	vld.idx.msk [tilespmem:v27+s21+$0x0], $0xffff;
	vm1 =	vlt.u32 v15, $0x6200  }
0x90: {  	v3 =	vor.u32 s31, v0;
	v5 =	vadd.s32 $0xFFFEDA00, v7;
	v21 =	vmin.u32 v9, $0x609F;
	[tilespmem:v20+s20+$0x0] =	vst.idx.msk vm2, v26;
	v20 =	vld [tilespmem:s22+$0x10]  }
0x91: {  	s24 =	simm.s32 $0x8;
	s25 =	simm.s32 $0x50;
	v11 =	vadd.s32 $0xFFFEDA00, v14;
	v16 =	vld.idx.msk [tilespmem:v30+s21+$0x0], $0xffff;
	[tilespmem:v22+s20+$0x0] =	vst.idx.msk vm5, v28;
	vm2 =	vlt.u32 v29, $0x6200;
	v15 =	vmin.u32 v8, $0x609F  }
.LBB2_7:
0x92: {  	s24 =	sadd.s32 $0x4, s24;
	v22 =	vadd.s32 $0xFFFF3C00, v14;
	v23 =	vld [tilespmem:s22+$0xFFFFFFF0];
	s22 =	sadd.s32 $0x40, s22;
	[tilespmem:v1+s20+$0x0] =	vst.idx.msk vm0, v12;
	v1 =	vor.u32 s25, v0  }
0x93: {  	v25 =	vadd.s32 $0xFFFF3C00, v7;
	v12 =	vmin.u32 v2, $0x609F;
	p1 =	slt.u32 s24, $0x3FC;
	v24 =	vmin.u32 v22, $0x61FF;
	v7 =	vld [tilespmem:s22+$0x0];
	[tilespmem:v6+s20+$0x0] =	vst.idx.msk vm4, v17  }
0x94: {  	vm7 =	vlt.u32 v10, $0x60A0;
	v10 =	vmov v5;
	v17 =	vmin.u32 v25, $0x61FF;
	[tilespmem:v4+s20+$0x0] =	vst.idx.msk vm3, v18;
	v19 =	vld.idx.msk [tilespmem:v19+s14+$0x0], $0xffff  }
0x95: {  	vm5 =	vlt.u32 v9, $0x60A0;
	v9 =	vmovc v11;
	v26 =	vadd.s32 $0xFFFF3C00, v20;
	v5 =	vadd.s32 $0xFFFEDA00, v20;
	v20 =	vld.idx.msk [tilespmem:v21+s14+$0x0], $0xffff;
	[tilespmem:v3+s20+$0x0] =	vst.idx.msk vm1, v13  }
0x96: {  	vm6 =	vlt.u32 v8, $0x60A0;
	v11 =	vmin.u32 v26, $0x61FF;
	v15 =	vld.idx.msk [tilespmem:v15+s14+$0x0], $0xffff;
	v8 =	vmov v5  }
0x97: {  	v14 =	vld [tilespmem:s22+$0xFFFFFFE0];
	v27 =	vadd.s32 $0xFFFF3C00, v23;
	v13 =	vadd.s32 $0xFFFEDA00, v23;
	[tilespmem:v1+s20+$0x0] =	vst.idx.msk vm2, v16  }
0x98: {  	vm0 =	vlt.u32 v2, $0x60A0;
	s23 =	sadd.s32 $0x40, s23;
	v5 =	vadd.s32 $0xFFFEDA00, v7;
	v16 =	vmin.u32 v27, $0x61FF;
	v12 =	vld.idx.msk [tilespmem:v12+s14+$0x0], $0xffff;
	v2 =	vmovc v13  }
.Ltmp2:
0x99: {  	s25 =	sadd.s32 $0x20, s23;
	vm4 =	vlt.u32 v25, $0x6200;
	v17 =	vld.idx.msk [tilespmem:v17+s21+$0x0], $0xffff;
	(pc) =	sbr.rel @p1 .LBB2_7-.Ltmp2, $4  }
0x9a: {  	vm3 =	vlt.u32 v22, $0x6200;
	v18 =	vld.idx.msk [tilespmem:v24+s21+$0x0], $0xffff;
	[tilespmem:v6+s20+$0x0] =	vst.idx.msk vm7, v19;
	v6 =	vor.u32 s25, v0  }
0x9b: {  	vm1 =	vlt.u32 v26, $0x6200;
	v19 =	vmin.u32 v10, $0x609F;
	s25 =	sadd.s32 $0x30, s23;
	v13 =	vld.idx.msk [tilespmem:v11+s21+$0x0], $0xffff;
	[tilespmem:v4+s20+$0x0] =	vst.idx.msk vm5, v20;
	v4 =	vor.u32 s23, v0  }
0x9c: {  	v21 =	vmin.u32 v9, $0x609F;
	v11 =	vadd.s32 $0xFFFEDA00, v14;
	v20 =	vld [tilespmem:s22+$0x10];
	[tilespmem:v3+s20+$0x0] =	vst.idx.msk vm6, v15;
	v3 =	vor.u32 s25, v0  }
0x9d: {  	vm2 =	vlt.u32 v27, $0x6200;
	s25 =	sadd.s32 $0x10, s23;
	v15 =	vmin.u32 v8, $0x609F;
	v16 =	vld.idx.msk [tilespmem:v16+s21+$0x0], $0xffff  }
0x9e: {  	v22 =	vld [tilespmem:s22+$0xFFFFFFF0];
	_ =	sdelay $0x1  }
0x9f: {  	v7 =	vadd.s32 $0xFFFF3C00, v7  }
0xa0: {  	v14 =	vadd.s32 $0xFFFF3C00, v14;
	v23 =	vmin.u32 v7, $0x61FF  }
0xa1: {  	v24 =	vor.u32 s25, v0;
	v25 =	vmin.u32 v14, $0x61FF;
	v26 =	vadd.s32 $0xFFFF3C00, v20  }
0xa2: {  	[tilespmem:v6+s20+$0x0] =	vst.idx.msk vm4, v17;
	vm14 =	vlt.u32 v10, $0x60A0;
	v45 =	vmin.u32 v26, $0x61FF;
	v46 =	vadd.s32 $0xFFFF3C00, v22  }
0xa3: {  	vm15 =	vlt.u32 v9, $0x60A0;
	s28 =	sadd.s32 $0x40, s23;
	[tilespmem:v4+s20+$0x0] =	vst.idx.msk vm3, v18;
	v47 =	vld.idx.msk [tilespmem:v19+s14+$0x0], $0xffff;
	v48 =	vmin.u32 v46, $0x61FF  }
0xa4: {  	v49 =	vmin.u32 v2, $0x609F;
	[tilespmem:v1+s20+$0x0] =	vst.idx.msk vm0, v12;
	vm0 =	vlt.u32 v8, $0x60A0;
	vm5 =	vlt.u32 v7, $0x6200;
	s23 =	sadd.s32 $0x20, s28;
	v51 =	vld.idx.msk [tilespmem:v21+s14+$0x0], $0xffff  }
0xa5: {  	v55 =	vmin.u32 v5, $0x609F;
	vm6 =	vlt.u32 v14, $0x6200;
	v52 =	vor.u32 s23, v0;
	v1 =	vld.idx.msk [tilespmem:v23+s21+$0x0], $0xffff  }
0xa6: {  	v56 =	vmin.u32 v11, $0x609F;
	v54 =	vor.u32 s28, v0;
	s29 =	sadd.s32 $0x30, s28;
	[tilespmem:v3+s20+$0x0] =	vst.idx.msk vm1, v13;
	vm9 =	vlt.u32 v26, $0x6200;
	v53 =	vld.idx.msk [tilespmem:v25+s21+$0x0], $0xffff  }
0xa7: {  	s22 =	sadd.s32 $0x10, s28;
	v57 =	vor.u32 s29, v0;
	v50 =	vadd.s32 $0xFFFEDA00, v20;
	[tilespmem:v24+s20+$0x0] =	vst.idx.msk vm2, v16;
	vm10 =	vlt.u32 v46, $0x6200;
	v10 =	vld.idx.msk [tilespmem:v45+s21+$0x0], $0xffff  }
0xa8: {  	v60 =	vor.u32 s22, v0;
	v59 =	vmin.u32 v50, $0x609F;
	v58 =	vadd.s32 $0xFFFEDA00, v22;
	[tilespmem:v6+s20+$0x0] =	vst.idx.msk vm14, v47;
	v9 =	vld.idx.msk [tilespmem:v48+s21+$0x0], $0xffff  }
0xa9: {  	vm11 =	vlt.u32 v2, $0x60A0;
	v15 =	vld.idx.msk [tilespmem:v15+s14+$0x0], $0xffff;
	v2 =	vmin.u32 v58, $0x609F;
	[tilespmem:v4+s20+$0x0] =	vst.idx.msk vm15, v51  }
0xaa: {  	vm12 =	vlt.u32 v5, $0x60A0;
	v61 =	vld.idx.msk [tilespmem:v49+s14+$0x0], $0xffff;
	[tilespmem:v52+s20+$0x0] =	vst.idx.msk vm5, v1  }
0xab: {  	vm13 =	vlt.u32 v11, $0x60A0;
	[tilespmem:v54+s20+$0x0] =	vst.idx.msk vm6, v53;
	v1 =	vld.idx.msk [tilespmem:v55+s14+$0x0], $0xffff  }
0xac: {  	vm14 =	vlt.u32 v50, $0x60A0;
	v62 =	vld.idx.msk [tilespmem:v56+s14+$0x0], $0xffff;
	[tilespmem:v57+s20+$0x0] =	vst.idx.msk vm9, v10  }
0xad: {  	vm15 =	vlt.u32 v58, $0x60A0;
	v63 =	vld.idx.msk [tilespmem:v59+s14+$0x0], $0xffff;
	[tilespmem:v60+s20+$0x0] =	vst.idx.msk vm10, v9  }
0xae: {  	[tilespmem:v3+s20+$0x0] =	vst.idx.msk vm0, v15;
	v2 =	vld.idx.msk [tilespmem:v2+s14+$0x0], $0xffff  }
0xaf: {  	p1 =	sne.s32 s19, $0x1A;
	[tilespmem:v24+s20+$0x0] =	vst.idx.msk vm11, v61  }
.Ltmp3:
0xb0: {  	s30 =	sshll.u32 s18, $0x4;
	[tilespmem:v52+s20+$0x0] =	vst.idx.msk vm12, v1;
	(pc) =	sbr.rel @p1 .LBB2_2-.Ltmp3, $4  }
0xb1: {  	s31 =	sshll.u32 s18, $0xB;
	s21 =	sand.u32 $0x70, s30;
	[tilespmem:v54+s20+$0x0] =	vst.idx.msk vm13, v62  }
0xb2: {  	s18 =	sand.u32 $0xFFFC000, s31;
	s21 =	sadd.s32 s5, s21;
	[tilespmem:v57+s20+$0x0] =	vst.idx.msk vm14, v63  }
0xb3: {  	p0 =	por !p0, !p0;
	s22 =	smov.u32 s19;
	s18 =	sadd.s32 s18, s21;
	[tilespmem:v60+s20+$0x0] =	vst.idx.msk vm15, v2  }
0xb4: {  	[hbm4b:s18+s9] =	stream.strided.scatter [tilespmem:s20], [sflag:$0x2], $0x4000, s10, s9, $0x38;
	[tilespmem:$0x1E500] =	vst v63  }
0xb5: {  	s16 =	sadd.s32 $0x1, s16  }
0xb6: {  	_ =	swait.ge [sflag:s15], $0x4000;
	p0 =	sne.s32 s16, s8  }
.Ltmp4:
0xb7: {  	[sflag:s15] =	ssyncset.done $0x0;
	(pc) =	sbr.rel @p0 .LBB2_1-.Ltmp4, $4  }
0xb8: {  	[sflag:s15] =	ssyncadd.s32 $0xFFFFC000  }
0xb9: {  	_ =	swait.ge [sflag:s15], $0x4000  }
0xba: {  	[sflag:s15] =	ssyncset.done $0x0  }
0xbb: {  	[sflag:s15] =	ssyncadd.s32 $0xFFFFC000  }
0xbc: {  	_ =	sfence.sel $0x180000  }
0xbd: {  	[bflag:$0x0] =	sbarrier.arrive $0xFFFF  }
0xbe: {  	p0 =	sne.s32 s0, $0x0;
	_ =	strace $0x90000047  }
0xbf: {  	s0 =	sadd.s32 @!p0 $0x100000, s3;
	[bflag:$0x2] =	sbarrier.arrive $0xFFFF  }
0xc0: {  	[sflag:s0] =	ssyncadd.tile.s32 @!p0 $0x1;
	_ =	shalt  }
.Lfunc_end2:
_tile_overlayer_lowered:
.L_overlay_start_2:
0xc1: {  	(tag) =	ssettag $0x2  }
0xc2: {  	s0 =	rddreg [dreg:$0x0];
	s2 =	stileid.u32  }
0xc3: {  	s1 =	rddreg [dreg:$0x1];
	p0 =	sne.s32 s2, $0x0  }
0xc4: {  	s3 =	rddreg [dreg:$0x2];
	[bflag:$0x3] =	sbarrier.arrive $0xFFFF;
	s2 =	simm.s32 @!p0 $0x1C03  }
0xc5: {  	[timem:s3], [sflag:s2] =	dma.local @!p0 [hbm:s0], s1  }
0xc6: {  	s0 =	simm.s32 @!p0 $0x3  }
0xc7: {  	_ =	swait.ge @!p0 [sflag:s0], s1  }
0xc8: {  	s1 =	ssub.s32 @!p0 $0x0, s1;
	[sflag:s0] =	ssyncset.done @!p0 $0x0  }
0xc9: {  	[sflag:s0] =	ssyncadd.s32 @!p0 s1  }
0xca: {  	[bflag:$0x3] =	sbarrier.arrive $0xFFFF  }
0xcb: {  	_ =	shalt  }

</sc_bundles>
